<compile_context>
chip_gen: v7x
topology: tpu7x:2x2x1
jax: 0.10.2.dev20260603
libtpu: 0.0.44.dev20260713+nightly
codegen_flags: <defaults>
</compile_context>

<pallas_src>
import functools

import jax
import jax.numpy as jnp
from jax import lax
from jax.experimental import pallas as pl
from jax.experimental.pallas import tpu as pltpu, tpu_sc as plsc

VOCAB = 100000
EMB_DIM = 300
D_PAD = 384
BATCH = 4096
MAX_WORDS = 30

_NC, _NS = 2, 16
_NW = _NC * _NS
_BATCH_PW = BATCH // _NW
_PAIR_B = 4
_PAIR_T = _PAIR_B * MAX_WORDS
_NPAIR = _BATCH_PW // _PAIR_B
_GROWS = 64

_OFFS = list(range(0, 256, 16)) + [256, 272, 284]

_mesh = plsc.VectorSubcoreMesh(core_axis_name="c", subcore_axis_name="s")


@functools.partial(
    pl.kernel,
    out_type=jax.ShapeDtypeStruct((BATCH, MAX_WORDS, EMB_DIM), jnp.float32),
    mesh=_mesh,
    scratch_types=[
        pltpu.VMEM((2 * _PAIR_T,), jnp.int32),
        pltpu.VMEM((_GROWS, D_PAD), jnp.float32),
        pltpu.VMEM((_GROWS, D_PAD), jnp.float32),
        pltpu.VMEM((2, MAX_WORDS, EMB_DIM), jnp.float32),
        pltpu.VMEM((2, MAX_WORDS, EMB_DIM), jnp.float32),
        pltpu.SemaphoreType.DMA,
        pltpu.SemaphoreType.DMA,
        pltpu.SemaphoreType.DMA,
        pltpu.SemaphoreType.DMA,
    ],
    compiler_params=pltpu.CompilerParams(use_tc_tiling_on_sc=True),
)
def _gather_kernel(idx_hbm, table_hbm, out_hbm,
                   idx_v, rows_a, rows_b, slab_a, slab_b,
                   gsem_a, gsem_b, wsem_a, wsem_b):
    wid = lax.axis_index("s") * _NC + lax.axis_index("c")
    tok0 = wid * _BATCH_PW * MAX_WORDS
    b0 = wid * _BATCH_PW

    def load_idx(p):
        pltpu.sync_copy(
            idx_hbm.at[pl.ds(tok0 + p * _PAIR_T, _PAIR_T)],
            idx_v.at[pl.ds((p % 2) * _PAIR_T, _PAIR_T)],
        )

    def start_gather(p, half, rows, sem):
        pltpu.async_copy(
            table_hbm.at[idx_v.at[pl.ds((p % 2) * _PAIR_T + half * 56, _GROWS)]],
            rows, sem,
        )

    def wait_gather(p, half, rows, sem):
        pltpu.make_async_copy(
            table_hbm.at[idx_v.at[pl.ds((p % 2) * _PAIR_T + half * 56, _GROWS)]],
            rows, sem,
        ).wait()

    def repack(rows, rofs, slab):
        def tok(t, carry):
            b = t // MAX_WORDS
            w = t % MAX_WORDS
            for o in _OFFS:
                slab[b, w, pl.ds(o, 16)] = rows[t + rofs, pl.ds(o, 16)]
            return carry

        lax.fori_loop(0, 2 * MAX_WORDS, tok, 0)

    def start_write(p, half, slab, sem):
        pltpu.async_copy(
            slab, out_hbm.at[pl.ds(b0 + p * _PAIR_B + half * 2, 2)], sem
        )

    def wait_write(p, half, slab, sem):
        pltpu.make_async_copy(
            slab, out_hbm.at[pl.ds(b0 + p * _PAIR_B + half * 2, 2)], sem
        ).wait()

    load_idx(0)
    start_gather(0, 0, rows_a, gsem_a)
    start_gather(0, 1, rows_b, gsem_b)

    def pair(p, carry):
        wait_gather(p, 0, rows_a, gsem_a)
        lax.cond(p > 0, lambda: wait_write(p - 1, 0, slab_a, wsem_a), lambda: None)
        repack(rows_a, 0, slab_a)
        start_write(p, 0, slab_a, wsem_a)

        lax.cond(p + 1 < _NPAIR, lambda: load_idx(p + 1), lambda: None)
        lax.cond(
            p + 1 < _NPAIR,
            lambda: start_gather(p + 1, 0, rows_a, gsem_a),
            lambda: None,
        )

        wait_gather(p, 1, rows_b, gsem_b)
        lax.cond(p > 0, lambda: wait_write(p - 1, 1, slab_b, wsem_b), lambda: None)
        repack(rows_b, 4, slab_b)
        start_write(p, 1, slab_b, wsem_b)
        lax.cond(
            p + 1 < _NPAIR,
            lambda: start_gather(p + 1, 1, rows_b, gsem_b),
            lambda: None,
        )
        return carry

    lax.fori_loop(0, _NPAIR, pair, 0)

    wait_write(_NPAIR - 1, 0, slab_a, wsem_a)
    wait_write(_NPAIR - 1, 1, slab_b, wsem_b)


def kernel(text, table):
    flat = text.reshape(-1).astype(jnp.int32)
    table_p = jnp.pad(table, ((0, 0), (0, D_PAD - EMB_DIM)))
    out = _gather_kernel(flat, table_p)
    return out.reshape(text.shape[:-1] + (MAX_WORDS, EMB_DIM))

# --- scband reference (transcript-rebuilt; emitter-appended) ---
"""Pipeline reference for scband-fast-text-embedding-layer-54279796687257 (READ-ONLY COPY).

The authoritative reference and input builder live on the scoring server;
editing this copy changes nothing except your own understanding.
"""

import jax, jax.numpy as jnp
import numpy as np

VOCAB = 100000
EMB_DIM = 300
BATCH = 4096
MAX_WORDS = 30


def setup_inputs(seed: int = 0) -> dict:
    key = jax.random.key(seed)
    k_idx, k_tab = jax.random.split(key)
    # Token ids per title, padded to MAX_WORDS. Index 0 acts as the zero-pad row
    # (original module appends torch.zeros(300) for padding slots).
    text = jax.random.randint(k_idx, (BATCH, MAX_WORDS), 0, VOCAB)
    # fastText word-vector table stand-in (cc.da.300 -> 300-dim vectors).
    table = jax.random.normal(k_tab, (VOCAB, EMB_DIM), dtype=jnp.float32) * 0.02
    table = table.at[0].set(0.0)  # padding row == zeros, matching zero-padding
    return {"text": text, "table": table}


def reference(text, table):
    # Original forward: for each title, look up per-word fastText vectors and
    # zero-pad to MAX_WORDS, then reshape to input_shape + (MAX_WORDS, emb_dim).
    # Vectorized: a gather of rows from the word-vector table.
    input_shape = text.shape[:-1]
    flat = text.reshape(-1)
    out = jnp.take(table, flat, axis=0)
    out = out.reshape(input_shape + (MAX_WORDS, EMB_DIM))
    return out

if __name__ == "__main__":
    import jax
    _d = setup_inputs()
    print(jax.jit(kernel)(*tuple(_d.values())))

</pallas_src>

<mosaic_0001>
#map = affine_map<(d0, d1) -> (0)>
#map1 = affine_map<(d0, d1) -> (0, 0)>
#map2 = affine_map<(d0, d1) -> (0, 0, 0)>
module attributes {stable_mosaic.version = 14 : i64} {
  func.func @_gather_kernel(%arg0: i32, %arg1: i32, %arg2: memref<122880xi32, #tpu.memory_space<hbm>>, %arg3: memref<100000x384xf32, #tpu.memory_space<hbm>>, %arg4: memref<4096x30x300xf32, #tpu.memory_space<hbm>>, %arg5: memref<240xi32, #tpu.memory_space<vmem>>, %arg6: memref<64x384xf32, #tpu.memory_space<vmem>>, %arg7: memref<64x384xf32, #tpu.memory_space<vmem>>, %arg8: memref<2x30x300xf32, #tpu.memory_space<vmem>>, %arg9: memref<2x30x300xf32, #tpu.memory_space<vmem>>, %arg10: memref<!tpu.dma_semaphore, #tpu.memory_space<semaphore_mem>>, %arg11: memref<!tpu.dma_semaphore, #tpu.memory_space<semaphore_mem>>, %arg12: memref<!tpu.dma_semaphore, #tpu.memory_space<semaphore_mem>>, %arg13: memref<!tpu.dma_semaphore, #tpu.memory_space<semaphore_mem>>) attributes {dimension_semantics = [#tpu.dimension_semantics<core_parallel>, #tpu.dimension_semantics<subcore_parallel>], iteration_bounds = array<i64: 2, 16>, scalar_prefetch = 0 : i64, scratch_operands = 9 : i64, tpu.core_type = #tpu.core_type<sc_vector_subcore>, window_params = [{transform_indices = #map}, {transform_indices = #map1}, {transform_indices = #map2}]} {
    %mul3A = arith.constant 2 : i32
    %mul3A_0 = arith.muli %arg1, %mul3A : i32
    %add3A = arith.addi %mul3A_0, %arg0 : i32
    %mul3A_1 = arith.constant 128 : i32
    %mul3A_2 = arith.muli %add3A, %mul3A_1 : i32
    %mul3A_3 = arith.constant 30 : i32
    %mul3A_4 = arith.muli %mul3A_2, %mul3A_3 : i32
    %mul3A_5 = arith.constant 128 : i32
    %mul3A_6 = arith.muli %add3A, %mul3A_5 : i32
    %add3A_7 = arith.constant 0 : i32
    %add3A_8 = arith.addi %mul3A_4, %add3A_7 : i32
    "tpu.region"() ({
      %run_scoped3A = tpu.sem_alloc : memref<!tpu.dma_semaphore, #tpu.memory_space<semaphore_mem>>
      %dma_start3A_42 = arith.constant 0 : i32
      %dma_start3A_43 = tpu.memref_slice %arg5[%dma_start3A_42] : memref<240xi32, #tpu.memory_space<vmem>> -> memref<120xi32, #tpu.memory_space<vmem>>
      %dma_start3A_44 = tpu.memref_slice %arg2[%add3A_8] : memref<122880xi32, #tpu.memory_space<hbm>> -> memref<120xi32, #tpu.memory_space<hbm>>
      %dma_start3A_45 = arith.constant 0 : i32
      %dma_start3A_46 = tpu.memref_slice %arg5[%dma_start3A_45] : memref<240xi32, #tpu.memory_space<vmem>> -> memref<120xi32, #tpu.memory_space<vmem>>
      %dma_start3A_47 = tpu.memref_slice %arg2[%add3A_8] : memref<122880xi32, #tpu.memory_space<hbm>> -> memref<120xi32, #tpu.memory_space<hbm>>
      tpu.enqueue_dma source(%dma_start3A_47 : memref<120xi32, #tpu.memory_space<hbm>>) target(%dma_start3A_46 : memref<120xi32, #tpu.memory_space<vmem>>) target_semaphore(%run_scoped3A : memref<!tpu.dma_semaphore, #tpu.memory_space<semaphore_mem>>)
      %dma_wait3A_48 = arith.constant 0 : i32
      %dma_wait3A_49 = tpu.memref_slice %arg5[%dma_wait3A_48] : memref<240xi32, #tpu.memory_space<vmem>> -> memref<120xi32, #tpu.memory_space<vmem>>
      %dma_wait3A_50 = tpu.memref_slice %arg2[%add3A_8] : memref<122880xi32, #tpu.memory_space<hbm>> -> memref<120xi32, #tpu.memory_space<hbm>>
      %dma_wait3A_51 = arith.constant 0 : i32
      %dma_wait3A_52 = tpu.memref_slice %arg5[%dma_wait3A_51] : memref<240xi32, #tpu.memory_space<vmem>> -> memref<120xi32, #tpu.memory_space<vmem>>
      %dma_wait3A_53 = tpu.memref_slice %arg2[%add3A_8] : memref<122880xi32, #tpu.memory_space<hbm>> -> memref<120xi32, #tpu.memory_space<hbm>>
      tpu.wait_dma2 semaphore(%run_scoped3A : memref<!tpu.dma_semaphore, #tpu.memory_space<semaphore_mem>>) src(%dma_wait3A_53 : memref<120xi32, #tpu.memory_space<hbm>>) dst(%dma_wait3A_52 : memref<120xi32, #tpu.memory_space<vmem>>)
      tpu.yield
    }) : () -> ()
    %dma_start3A = arith.constant 0 : i32
    %dma_start3A_9 = tpu.memref_slice %arg5[%dma_start3A] : memref<240xi32, #tpu.memory_space<vmem>> -> memref<64xi32, #tpu.memory_space<vmem>>
    %dma_start3A_10 = arith.constant 0 : i32
    %dma_start3A_11 = arith.constant 0 : i32
    %dma_start3A_12 = tpu.memref_slice %arg3[%dma_start3A_10, %dma_start3A_11] : memref<100000x384xf32, #tpu.memory_space<hbm>> -> memref<100000x384xf32, #tpu.memory_space<hbm>>
    tpu.enqueue_indirect_dma source(%dma_start3A_12 : memref<100000x384xf32, #tpu.memory_space<hbm>>) target(%arg6 : memref<64x384xf32, #tpu.memory_space<vmem>>) offsets(%dma_start3A_9 : memref<64xi32, #tpu.memory_space<vmem>>) semaphore(%arg10 : memref<!tpu.dma_semaphore, #tpu.memory_space<semaphore_mem>>)
    %dma_start3A_13 = arith.constant 56 : i32
    %dma_start3A_14 = tpu.memref_slice %arg5[%dma_start3A_13] : memref<240xi32, #tpu.memory_space<vmem>> -> memref<64xi32, #tpu.memory_space<vmem>>
    %dma_start3A_15 = arith.constant 0 : i32
    %dma_start3A_16 = arith.constant 0 : i32
    %dma_start3A_17 = tpu.memref_slice %arg3[%dma_start3A_15, %dma_start3A_16] : memref<100000x384xf32, #tpu.memory_space<hbm>> -> memref<100000x384xf32, #tpu.memory_space<hbm>>
    tpu.enqueue_indirect_dma source(%dma_start3A_17 : memref<100000x384xf32, #tpu.memory_space<hbm>>) target(%arg7 : memref<64x384xf32, #tpu.memory_space<vmem>>) offsets(%dma_start3A_14 : memref<64xi32, #tpu.memory_space<vmem>>) semaphore(%arg11 : memref<!tpu.dma_semaphore, #tpu.memory_space<semaphore_mem>>)
    %scan3A = arith.constant 0 : i32
    %scan3A_18 = arith.constant 0 : i32
    %scan3A_19 = arith.constant 32 : i32
    %scan3A_20 = arith.addi %scan3A_18, %scan3A_19 : i32
    %scan3A_21 = arith.constant 1 : i32
    scf.for %scan3A_42 = %scan3A_18 to %scan3A_20 step %scan3A_21  : i32 {
      %jit3A = arith.constant 2 : i32
      %eq3A = arith.constant 0 : i32
      %eq3A_43 = arith.cmpi eq, %jit3A, %eq3A : i32
      %jit3A_44 = arith.constant 1 : i32
      %select_n3A = arith.select %eq3A_43, %jit3A_44, %jit3A : i32
      %rem3A = arith.remsi %scan3A_42, %select_n3A : i32
      %ne3A = arith.constant 0 : i32
      %ne3A_45 = arith.cmpi ne, %rem3A, %ne3A : i32
      %lt3A = arith.constant 0 : i32
      %lt3A_46 = arith.cmpi slt, %rem3A, %lt3A : i32
      %lt3A_47 = arith.constant 0 : i32
      %lt3A_48 = arith.cmpi slt, %select_n3A, %lt3A_47 : i32
      %ne3A_49 = arith.xori %lt3A_46, %lt3A_48 : i1
      %and3A = arith.andi %ne3A_49, %ne3A_45 : i1
      %add3A_50 = arith.addi %rem3A, %select_n3A : i32
      %select_n3A_51 = arith.select %and3A, %add3A_50, %rem3A : i32
      %mul3A_52 = arith.constant 120 : i32
      %mul3A_53 = arith.muli %select_n3A_51, %mul3A_52 : i32
      %add3A_54 = arith.constant 0 : i32
      %add3A_55 = arith.addi %mul3A_53, %add3A_54 : i32
      %dma_wait3A_56 = tpu.memref_slice %arg5[%add3A_55] : memref<240xi32, #tpu.memory_space<vmem>> -> memref<64xi32, #tpu.memory_space<vmem>>
      %dma_wait3A_57 = arith.constant 0 : i32
      %dma_wait3A_58 = arith.constant 0 : i32
      %dma_wait3A_59 = tpu.memref_slice %arg3[%dma_wait3A_57, %dma_wait3A_58] : memref<100000x384xf32, #tpu.memory_space<hbm>> -> memref<100000x384xf32, #tpu.memory_space<hbm>>
      tpu.wait_indirect_dma semaphore(%arg10 : memref<!tpu.dma_semaphore, #tpu.memory_space<semaphore_mem>>) src(%dma_wait3A_59 : memref<100000x384xf32, #tpu.memory_space<hbm>>) dst(%arg6 : memref<64x384xf32, #tpu.memory_space<vmem>>)
      %gt3A = arith.constant 0 : i32
      %gt3A_60 = arith.cmpi sgt, %scan3A_42, %gt3A : i32
      %convert_element_type3A = arith.extui %gt3A_60 : i1 to i32
      %cond3A = arith.constant 0 : i32
      %cond3A_61 = arith.cmpi ne, %convert_element_type3A, %cond3A : i32
      scf.if %cond3A_61 {
        %sub3A = arith.constant 1 : i32
        %sub3A_146 = arith.subi %scan3A_42, %sub3A : i32
        %mul3A_147 = arith.constant 4 : i32
        %mul3A_148 = arith.muli %sub3A_146, %mul3A_147 : i32
        %add3A_149 = arith.addi %mul3A_6, %mul3A_148 : i32
        %add3A_150 = arith.constant 0 : i32
        %add3A_151 = arith.addi %add3A_149, %add3A_150 : i32
        %dma_wait3A_152 = arith.constant 0 : i32
        %dma_wait3A_153 = arith.constant 0 : i32
        %dma_wait3A_154 = tpu.memref_slice %arg4[%add3A_151, %dma_wait3A_152, %dma_wait3A_153] : memref<4096x30x300xf32, #tpu.memory_space<hbm>> -> memref<2x30x300xf32, #tpu.memory_space<hbm>>
        %dma_wait3A_155 = arith.constant 0 : i32
        %dma_wait3A_156 = arith.constant 0 : i32
        %dma_wait3A_157 = tpu.memref_slice %arg4[%add3A_151, %dma_wait3A_155, %dma_wait3A_156] : memref<4096x30x300xf32, #tpu.memory_space<hbm>> -> memref<2x30x300xf32, #tpu.memory_space<hbm>>
        tpu.wait_dma2 semaphore(%arg12 : memref<!tpu.dma_semaphore, #tpu.memory_space<semaphore_mem>>) src(%arg8 : memref<2x30x300xf32, #tpu.memory_space<vmem>>) dst(%dma_wait3A_157 : memref<2x30x300xf32, #tpu.memory_space<hbm>>)
      } else {
      }
      %scan3A_62 = arith.constant 0 : i32
      %scan3A_63 = arith.constant 0 : i32
      %scan3A_64 = arith.constant 60 : i32
      %scan3A_65 = arith.addi %scan3A_63, %scan3A_64 : i32
      %scan3A_66 = arith.constant 1 : i32
      scf.for %scan3A_146 = %scan3A_63 to %scan3A_65 step %scan3A_66  : i32 {
        %jit3A_147 = arith.constant 30 : i32
        %div3A = arith.divsi %scan3A_146, %jit3A_147 : i32
        %sign3A = arith.constant 0 : i32
        %sign3A_148 = arith.cmpi sgt, %scan3A_146, %sign3A : i32
        %sign3A_149 = arith.extui %sign3A_148 : i1 to i32
        %sign3A_150 = arith.constant 0 : i32
        %sign3A_151 = arith.cmpi slt, %scan3A_146, %sign3A_150 : i32
        %sign3A_152 = arith.extui %sign3A_151 : i1 to i32
        %sign3A_153 = arith.subi %sign3A_149, %sign3A_152 : i32
        %sign3A_154 = arith.constant 0 : i32
        %sign3A_155 = arith.cmpi sgt, %jit3A_147, %sign3A_154 : i32
        %sign3A_156 = arith.extui %sign3A_155 : i1 to i32
        %sign3A_157 = arith.constant 0 : i32
        %sign3A_158 = arith.cmpi slt, %jit3A_147, %sign3A_157 : i32
        %sign3A_159 = arith.extui %sign3A_158 : i1 to i32
        %sign3A_160 = arith.subi %sign3A_156, %sign3A_159 : i32
        %ne3A_161 = arith.cmpi ne, %sign3A_153, %sign3A_160 : i32
        %rem3A_162 = arith.remsi %scan3A_146, %jit3A_147 : i32
        %ne3A_163 = arith.constant 0 : i32
        %ne3A_164 = arith.cmpi ne, %rem3A_162, %ne3A_163 : i32
        %and3A_165 = arith.andi %ne3A_161, %ne3A_164 : i1
        %sub3A = arith.constant 1 : i32
        %sub3A_166 = arith.subi %div3A, %sub3A : i32
        %select_n3A_167 = arith.select %and3A_165, %sub3A_166, %div3A : i32
        %jit3A_168 = arith.constant 30 : i32
        %eq3A_169 = arith.constant 0 : i32
        %eq3A_170 = arith.cmpi eq, %jit3A_168, %eq3A_169 : i32
        %jit3A_171 = arith.constant 1 : i32
        %select_n3A_172 = arith.select %eq3A_170, %jit3A_171, %jit3A_168 : i32
        %rem3A_173 = arith.remsi %scan3A_146, %select_n3A_172 : i32
        %ne3A_174 = arith.constant 0 : i32
        %ne3A_175 = arith.cmpi ne, %rem3A_173, %ne3A_174 : i32
        %lt3A_176 = arith.constant 0 : i32
        %lt3A_177 = arith.cmpi slt, %rem3A_173, %lt3A_176 : i32
        %lt3A_178 = arith.constant 0 : i32
        %lt3A_179 = arith.cmpi slt, %select_n3A_172, %lt3A_178 : i32
        %ne3A_180 = arith.xori %lt3A_177, %lt3A_179 : i1
        %and3A_181 = arith.andi %ne3A_180, %ne3A_175 : i1
        %add3A_182 = arith.addi %rem3A_173, %select_n3A_172 : i32
        %select_n3A_183 = arith.select %and3A_181, %add3A_182, %rem3A_173 : i32
        %add3A_184 = arith.constant 0 : i32
        %add3A_185 = arith.addi %scan3A_146, %add3A_184 : i32
        %get3A = arith.index_cast %add3A_185 : i32 to index
        %get3A_186 = arith.constant 0 : index
        %get3A_187 = tpu.vector_load %arg6[%get3A, %get3A_186] {strides = array<i32>} : memref<64x384xf32, #tpu.memory_space<vmem>>, vector<1x16xf32>,
        %get3A_188 = vector.shape_cast %get3A_187 : vector<1x16xf32> to vector<16xf32>
        %swap3A = arith.index_cast %select_n3A_167 : i32 to index
        %swap3A_189 = arith.index_cast %select_n3A_183 : i32 to index
        %swap3A_190 = arith.constant 0 : index
        %swap3A_191 = tpu.vector_load %arg8[%swap3A, %swap3A_189, %swap3A_190] {strides = array<i32>} : memref<2x30x300xf32, #tpu.memory_space<vmem>>, vector<1x1x16xf32>,
        %swap3A_192 = vector.shape_cast %swap3A_191 : vector<1x1x16xf32> to vector<16xf32>
        %swap3A_193 = vector.shape_cast %get3A_188 : vector<16xf32> to vector<1x1x16xf32>
        tpu.vector_store %arg8[%swap3A, %swap3A_189, %swap3A_190], %swap3A_193 {strides = array<i32>} : memref<2x30x300xf32, #tpu.memory_space<vmem>>, vector<1x1x16xf32>,
        %add3A_194 = arith.constant 0 : i32
        %add3A_195 = arith.addi %scan3A_146, %add3A_194 : i32
        %get3A_196 = arith.index_cast %add3A_195 : i32 to index
        %get3A_197 = arith.constant 16 : index
        %get3A_198 = tpu.vector_load %arg6[%get3A_196, %get3A_197] {strides = array<i32>} : memref<64x384xf32, #tpu.memory_space<vmem>>, vector<1x16xf32>,
        %get3A_199 = vector.shape_cast %get3A_198 : vector<1x16xf32> to vector<16xf32>
        %swap3A_200 = arith.index_cast %select_n3A_167 : i32 to index
        %swap3A_201 = arith.index_cast %select_n3A_183 : i32 to index
        %swap3A_202 = arith.constant 16 : index
        %swap3A_203 = tpu.vector_load %arg8[%swap3A_200, %swap3A_201, %swap3A_202] {strides = array<i32>} : memref<2x30x300xf32, #tpu.memory_space<vmem>>, vector<1x1x16xf32>,
        %swap3A_204 = vector.shape_cast %swap3A_203 : vector<1x1x16xf32> to vector<16xf32>
        %swap3A_205 = vector.shape_cast %get3A_199 : vector<16xf32> to vector<1x1x16xf32>
        tpu.vector_store %arg8[%swap3A_200, %swap3A_201, %swap3A_202], %swap3A_205 {strides = array<i32>} : memref<2x30x300xf32, #tpu.memory_space<vmem>>, vector<1x1x16xf32>,
        %add3A_206 = arith.constant 0 : i32
        %add3A_207 = arith.addi %scan3A_146, %add3A_206 : i32
        %get3A_208 = arith.index_cast %add3A_207 : i32 to index
        %get3A_209 = arith.constant 32 : index
        %get3A_210 = tpu.vector_load %arg6[%get3A_208, %get3A_209] {strides = array<i32>} : memref<64x384xf32, #tpu.memory_space<vmem>>, vector<1x16xf32>,
        %get3A_211 = vector.shape_cast %get3A_210 : vector<1x16xf32> to vector<16xf32>
        %swap3A_212 = arith.index_cast %select_n3A_167 : i32 to index
        %swap3A_213 = arith.index_cast %select_n3A_183 : i32 to index
        %swap3A_214 = arith.constant 32 : index
        %swap3A_215 = tpu.vector_load %arg8[%swap3A_212, %swap3A_213, %swap3A_214] {strides = array<i32>} : memref<2x30x300xf32, #tpu.memory_space<vmem>>, vector<1x1x16xf32>,
        %swap3A_216 = vector.shape_cast %swap3A_215 : vector<1x1x16xf32> to vector<16xf32>
        %swap3A_217 = vector.shape_cast %get3A_211 : vector<16xf32> to vector<1x1x16xf32>
        tpu.vector_store %arg8[%swap3A_212, %swap3A_213, %swap3A_214], %swap3A_217 {strides = array<i32>} : memref<2x30x300xf32, #tpu.memory_space<vmem>>, vector<1x1x16xf32>,
        %add3A_218 = arith.constant 0 : i32
        %add3A_219 = arith.addi %scan3A_146, %add3A_218 : i32
        %get3A_220 = arith.index_cast %add3A_219 : i32 to index
        %get3A_221 = arith.constant 48 : index
        %get3A_222 = tpu.vector_load %arg6[%get3A_220, %get3A_221] {strides = array<i32>} : memref<64x384xf32, #tpu.memory_space<vmem>>, vector<1x16xf32>,
        %get3A_223 = vector.shape_cast %get3A_222 : vector<1x16xf32> to vector<16xf32>
        %swap3A_224 = arith.index_cast %select_n3A_167 : i32 to index
        %swap3A_225 = arith.index_cast %select_n3A_183 : i32 to index
        %swap3A_226 = arith.constant 48 : index
        %swap3A_227 = tpu.vector_load %arg8[%swap3A_224, %swap3A_225, %swap3A_226] {strides = array<i32>} : memref<2x30x300xf32, #tpu.memory_space<vmem>>, vector<1x1x16xf32>,
        %swap3A_228 = vector.shape_cast %swap3A_227 : vector<1x1x16xf32> to vector<16xf32>
        %swap3A_229 = vector.shape_cast %get3A_223 : vector<16xf32> to vector<1x1x16xf32>
        tpu.vector_store %arg8[%swap3A_224, %swap3A_225, %swap3A_226], %swap3A_229 {strides = array<i32>} : memref<2x30x300xf32, #tpu.memory_space<vmem>>, vector<1x1x16xf32>,
        %add3A_230 = arith.constant 0 : i32
        %add3A_231 = arith.addi %scan3A_146, %add3A_230 : i32
        %get3A_232 = arith.index_cast %add3A_231 : i32 to index
        %get3A_233 = arith.constant 64 : index
        %get3A_234 = tpu.vector_load %arg6[%get3A_232, %get3A_233] {strides = array<i32>} : memref<64x384xf32, #tpu.memory_space<vmem>>, vector<1x16xf32>,
        %get3A_235 = vector.shape_cast %get3A_234 : vector<1x16xf32> to vector<16xf32>
        %swap3A_236 = arith.index_cast %select_n3A_167 : i32 to index
        %swap3A_237 = arith.index_cast %select_n3A_183 : i32 to index
        %swap3A_238 = arith.constant 64 : index
        %swap3A_239 = tpu.vector_load %arg8[%swap3A_236, %swap3A_237, %swap3A_238] {strides = array<i32>} : memref<2x30x300xf32, #tpu.memory_space<vmem>>, vector<1x1x16xf32>,
        %swap3A_240 = vector.shape_cast %swap3A_239 : vector<1x1x16xf32> to vector<16xf32>
        %swap3A_241 = vector.shape_cast %get3A_235 : vector<16xf32> to vector<1x1x16xf32>
        tpu.vector_store %arg8[%swap3A_236, %swap3A_237, %swap3A_238], %swap3A_241 {strides = array<i32>} : memref<2x30x300xf32, #tpu.memory_space<vmem>>, vector<1x1x16xf32>,
        %add3A_242 = arith.constant 0 : i32
        %add3A_243 = arith.addi %scan3A_146, %add3A_242 : i32
        %get3A_244 = arith.index_cast %add3A_243 : i32 to index
        %get3A_245 = arith.constant 80 : index
        %get3A_246 = tpu.vector_load %arg6[%get3A_244, %get3A_245] {strides = array<i32>} : memref<64x384xf32, #tpu.memory_space<vmem>>, vector<1x16xf32>,
        %get3A_247 = vector.shape_cast %get3A_246 : vector<1x16xf32> to vector<16xf32>
        %swap3A_248 = arith.index_cast %select_n3A_167 : i32 to index
        %swap3A_249 = arith.index_cast %select_n3A_183 : i32 to index
        %swap3A_250 = arith.constant 80 : index
        %swap3A_251 = tpu.vector_load %arg8[%swap3A_248, %swap3A_249, %swap3A_250] {strides = array<i32>} : memref<2x30x300xf32, #tpu.memory_space<vmem>>, vector<1x1x16xf32>,
        %swap3A_252 = vector.shape_cast %swap3A_251 : vector<1x1x16xf32> to vector<16xf32>
        %swap3A_253 = vector.shape_cast %get3A_247 : vector<16xf32> to vector<1x1x16xf32>
        tpu.vector_store %arg8[%swap3A_248, %swap3A_249, %swap3A_250], %swap3A_253 {strides = array<i32>} : memref<2x30x300xf32, #tpu.memory_space<vmem>>, vector<1x1x16xf32>,
        %add3A_254 = arith.constant 0 : i32
        %add3A_255 = arith.addi %scan3A_146, %add3A_254 : i32
        %get3A_256 = arith.index_cast %add3A_255 : i32 to index
        %get3A_257 = arith.constant 96 : index
        %get3A_258 = tpu.vector_load %arg6[%get3A_256, %get3A_257] {strides = array<i32>} : memref<64x384xf32, #tpu.memory_space<vmem>>, vector<1x16xf32>,
        %get3A_259 = vector.shape_cast %get3A_258 : vector<1x16xf32> to vector<16xf32>
        %swap3A_260 = arith.index_cast %select_n3A_167 : i32 to index
        %swap3A_261 = arith.index_cast %select_n3A_183 : i32 to index
        %swap3A_262 = arith.constant 96 : index
        %swap3A_263 = tpu.vector_load %arg8[%swap3A_260, %swap3A_261, %swap3A_262] {strides = array<i32>} : memref<2x30x300xf32, #tpu.memory_space<vmem>>, vector<1x1x16xf32>,
        %swap3A_264 = vector.shape_cast %swap3A_263 : vector<1x1x16xf32> to vector<16xf32>
        %swap3A_265 = vector.shape_cast %get3A_259 : vector<16xf32> to vector<1x1x16xf32>
        tpu.vector_store %arg8[%swap3A_260, %swap3A_261, %swap3A_262], %swap3A_265 {strides = array<i32>} : memref<2x30x300xf32, #tpu.memory_space<vmem>>, vector<1x1x16xf32>,
        %add3A_266 = arith.constant 0 : i32
        %add3A_267 = arith.addi %scan3A_146, %add3A_266 : i32
        %get3A_268 = arith.index_cast %add3A_267 : i32 to index
        %get3A_269 = arith.constant 112 : index
        %get3A_270 = tpu.vector_load %arg6[%get3A_268, %get3A_269] {strides = array<i32>} : memref<64x384xf32, #tpu.memory_space<vmem>>, vector<1x16xf32>,
        %get3A_271 = vector.shape_cast %get3A_270 : vector<1x16xf32> to vector<16xf32>
        %swap3A_272 = arith.index_cast %select_n3A_167 : i32 to index
        %swap3A_273 = arith.index_cast %select_n3A_183 : i32 to index
        %swap3A_274 = arith.constant 112 : index
        %swap3A_275 = tpu.vector_load %arg8[%swap3A_272, %swap3A_273, %swap3A_274] {strides = array<i32>} : memref<2x30x300xf32, #tpu.memory_space<vmem>>, vector<1x1x16xf32>,
        %swap3A_276 = vector.shape_cast %swap3A_275 : vector<1x1x16xf32> to vector<16xf32>
        %swap3A_277 = vector.shape_cast %get3A_271 : vector<16xf32> to vector<1x1x16xf32>
        tpu.vector_store %arg8[%swap3A_272, %swap3A_273, %swap3A_274], %swap3A_277 {strides = array<i32>} : memref<2x30x300xf32, #tpu.memory_space<vmem>>, vector<1x1x16xf32>,
        %add3A_278 = arith.constant 0 : i32
        %add3A_279 = arith.addi %scan3A_146, %add3A_278 : i32
        %get3A_280 = arith.index_cast %add3A_279 : i32 to index
        %get3A_281 = arith.constant 128 : index
        %get3A_282 = tpu.vector_load %arg6[%get3A_280, %get3A_281] {strides = array<i32>} : memref<64x384xf32, #tpu.memory_space<vmem>>, vector<1x16xf32>,
        %get3A_283 = vector.shape_cast %get3A_282 : vector<1x16xf32> to vector<16xf32>
        %swap3A_284 = arith.index_cast %select_n3A_167 : i32 to index
        %swap3A_285 = arith.index_cast %select_n3A_183 : i32 to index
        %swap3A_286 = arith.constant 128 : index
        %swap3A_287 = tpu.vector_load %arg8[%swap3A_284, %swap3A_285, %swap3A_286] {strides = array<i32>} : memref<2x30x300xf32, #tpu.memory_space<vmem>>, vector<1x1x16xf32>,
        %swap3A_288 = vector.shape_cast %swap3A_287 : vector<1x1x16xf32> to vector<16xf32>
        %swap3A_289 = vector.shape_cast %get3A_283 : vector<16xf32> to vector<1x1x16xf32>
        tpu.vector_store %arg8[%swap3A_284, %swap3A_285, %swap3A_286], %swap3A_289 {strides = array<i32>} : memref<2x30x300xf32, #tpu.memory_space<vmem>>, vector<1x1x16xf32>,
        %add3A_290 = arith.constant 0 : i32
        %add3A_291 = arith.addi %scan3A_146, %add3A_290 : i32
        %get3A_292 = arith.index_cast %add3A_291 : i32 to index
        %get3A_293 = arith.constant 144 : index
        %get3A_294 = tpu.vector_load %arg6[%get3A_292, %get3A_293] {strides = array<i32>} : memref<64x384xf32, #tpu.memory_space<vmem>>, vector<1x16xf32>,
        %get3A_295 = vector.shape_cast %get3A_294 : vector<1x16xf32> to vector<16xf32>
        %swap3A_296 = arith.index_cast %select_n3A_167 : i32 to index
        %swap3A_297 = arith.index_cast %select_n3A_183 : i32 to index
        %swap3A_298 = arith.constant 144 : index
        %swap3A_299 = tpu.vector_load %arg8[%swap3A_296, %swap3A_297, %swap3A_298] {strides = array<i32>} : memref<2x30x300xf32, #tpu.memory_space<vmem>>, vector<1x1x16xf32>,
        %swap3A_300 = vector.shape_cast %swap3A_299 : vector<1x1x16xf32> to vector<16xf32>
        %swap3A_301 = vector.shape_cast %get3A_295 : vector<16xf32> to vector<1x1x16xf32>
        tpu.vector_store %arg8[%swap3A_296, %swap3A_297, %swap3A_298], %swap3A_301 {strides = array<i32>} : memref<2x30x300xf32, #tpu.memory_space<vmem>>, vector<1x1x16xf32>,
        %add3A_302 = arith.constant 0 : i32
        %add3A_303 = arith.addi %scan3A_146, %add3A_302 : i32
        %get3A_304 = arith.index_cast %add3A_303 : i32 to index
        %get3A_305 = arith.constant 160 : index
        %get3A_306 = tpu.vector_load %arg6[%get3A_304, %get3A_305] {strides = array<i32>} : memref<64x384xf32, #tpu.memory_space<vmem>>, vector<1x16xf32>,
        %get3A_307 = vector.shape_cast %get3A_306 : vector<1x16xf32> to vector<16xf32>
        %swap3A_308 = arith.index_cast %select_n3A_167 : i32 to index
        %swap3A_309 = arith.index_cast %select_n3A_183 : i32 to index
        %swap3A_310 = arith.constant 160 : index
        %swap3A_311 = tpu.vector_load %arg8[%swap3A_308, %swap3A_309, %swap3A_310] {strides = array<i32>} : memref<2x30x300xf32, #tpu.memory_space<vmem>>, vector<1x1x16xf32>,
        %swap3A_312 = vector.shape_cast %swap3A_311 : vector<1x1x16xf32> to vector<16xf32>
        %swap3A_313 = vector.shape_cast %get3A_307 : vector<16xf32> to vector<1x1x16xf32>
        tpu.vector_store %arg8[%swap3A_308, %swap3A_309, %swap3A_310], %swap3A_313 {strides = array<i32>} : memref<2x30x300xf32, #tpu.memory_space<vmem>>, vector<1x1x16xf32>,
        %add3A_314 = arith.constant 0 : i32
        %add3A_315 = arith.addi %scan3A_146, %add3A_314 : i32
        %get3A_316 = arith.index_cast %add3A_315 : i32 to index
        %get3A_317 = arith.constant 176 : index
        %get3A_318 = tpu.vector_load %arg6[%get3A_316, %get3A_317] {strides = array<i32>} : memref<64x384xf32, #tpu.memory_space<vmem>>, vector<1x16xf32>,
        %get3A_319 = vector.shape_cast %get3A_318 : vector<1x16xf32> to vector<16xf32>
        %swap3A_320 = arith.index_cast %select_n3A_167 : i32 to index
        %swap3A_321 = arith.index_cast %select_n3A_183 : i32 to index
        %swap3A_322 = arith.constant 176 : index
        %swap3A_323 = tpu.vector_load %arg8[%swap3A_320, %swap3A_321, %swap3A_322] {strides = array<i32>} : memref<2x30x300xf32, #tpu.memory_space<vmem>>, vector<1x1x16xf32>,
        %swap3A_324 = vector.shape_cast %swap3A_323 : vector<1x1x16xf32> to vector<16xf32>
        %swap3A_325 = vector.shape_cast %get3A_319 : vector<16xf32> to vector<1x1x16xf32>
        tpu.vector_store %arg8[%swap3A_320, %swap3A_321, %swap3A_322], %swap3A_325 {strides = array<i32>} : memref<2x30x300xf32, #tpu.memory_space<vmem>>, vector<1x1x16xf32>,
        %add3A_326 = arith.constant 0 : i32
        %add3A_327 = arith.addi %scan3A_146, %add3A_326 : i32
        %get3A_328 = arith.index_cast %add3A_327 : i32 to index
        %get3A_329 = arith.constant 192 : index
        %get3A_330 = tpu.vector_load %arg6[%get3A_328, %get3A_329] {strides = array<i32>} : memref<64x384xf32, #tpu.memory_space<vmem>>, vector<1x16xf32>,
        %get3A_331 = vector.shape_cast %get3A_330 : vector<1x16xf32> to vector<16xf32>
        %swap3A_332 = arith.index_cast %select_n3A_167 : i32 to index
        %swap3A_333 = arith.index_cast %select_n3A_183 : i32 to index
        %swap3A_334 = arith.constant 192 : index
        %swap3A_335 = tpu.vector_load %arg8[%swap3A_332, %swap3A_333, %swap3A_334] {strides = array<i32>} : memref<2x30x300xf32, #tpu.memory_space<vmem>>, vector<1x1x16xf32>,
        %swap3A_336 = vector.shape_cast %swap3A_335 : vector<1x1x16xf32> to vector<16xf32>
        %swap3A_337 = vector.shape_cast %get3A_331 : vector<16xf32> to vector<1x1x16xf32>
        tpu.vector_store %arg8[%swap3A_332, %swap3A_333, %swap3A_334], %swap3A_337 {strides = array<i32>} : memref<2x30x300xf32, #tpu.memory_space<vmem>>, vector<1x1x16xf32>,
        %add3A_338 = arith.constant 0 : i32
        %add3A_339 = arith.addi %scan3A_146, %add3A_338 : i32
        %get3A_340 = arith.index_cast %add3A_339 : i32 to index
        %get3A_341 = arith.constant 208 : index
        %get3A_342 = tpu.vector_load %arg6[%get3A_340, %get3A_341] {strides = array<i32>} : memref<64x384xf32, #tpu.memory_space<vmem>>, vector<1x16xf32>,
        %get3A_343 = vector.shape_cast %get3A_342 : vector<1x16xf32> to vector<16xf32>
        %swap3A_344 = arith.index_cast %select_n3A_167 : i32 to index
        %swap3A_345 = arith.index_cast %select_n3A_183 : i32 to index
        %swap3A_346 = arith.constant 208 : index
        %swap3A_347 = tpu.vector_load %arg8[%swap3A_344, %swap3A_345, %swap3A_346] {strides = array<i32>} : memref<2x30x300xf32, #tpu.memory_space<vmem>>, vector<1x1x16xf32>,
        %swap3A_348 = vector.shape_cast %swap3A_347 : vector<1x1x16xf32> to vector<16xf32>
        %swap3A_349 = vector.shape_cast %get3A_343 : vector<16xf32> to vector<1x1x16xf32>
        tpu.vector_store %arg8[%swap3A_344, %swap3A_345, %swap3A_346], %swap3A_349 {strides = array<i32>} : memref<2x30x300xf32, #tpu.memory_space<vmem>>, vector<1x1x16xf32>,
        %add3A_350 = arith.constant 0 : i32
        %add3A_351 = arith.addi %scan3A_146, %add3A_350 : i32
        %get3A_352 = arith.index_cast %add3A_351 : i32 to index
        %get3A_353 = arith.constant 224 : index
        %get3A_354 = tpu.vector_load %arg6[%get3A_352, %get3A_353] {strides = array<i32>} : memref<64x384xf32, #tpu.memory_space<vmem>>, vector<1x16xf32>,
        %get3A_355 = vector.shape_cast %get3A_354 : vector<1x16xf32> to vector<16xf32>
        %swap3A_356 = arith.index_cast %select_n3A_167 : i32 to index
        %swap3A_357 = arith.index_cast %select_n3A_183 : i32 to index
        %swap3A_358 = arith.constant 224 : index
        %swap3A_359 = tpu.vector_load %arg8[%swap3A_356, %swap3A_357, %swap3A_358] {strides = array<i32>} : memref<2x30x300xf32, #tpu.memory_space<vmem>>, vector<1x1x16xf32>,
        %swap3A_360 = vector.shape_cast %swap3A_359 : vector<1x1x16xf32> to vector<16xf32>
        %swap3A_361 = vector.shape_cast %get3A_355 : vector<16xf32> to vector<1x1x16xf32>
        tpu.vector_store %arg8[%swap3A_356, %swap3A_357, %swap3A_358], %swap3A_361 {strides = array<i32>} : memref<2x30x300xf32, #tpu.memory_space<vmem>>, vector<1x1x16xf32>,
        %add3A_362 = arith.constant 0 : i32
        %add3A_363 = arith.addi %scan3A_146, %add3A_362 : i32
        %get3A_364 = arith.index_cast %add3A_363 : i32 to index
        %get3A_365 = arith.constant 240 : index
        %get3A_366 = tpu.vector_load %arg6[%get3A_364, %get3A_365] {strides = array<i32>} : memref<64x384xf32, #tpu.memory_space<vmem>>, vector<1x16xf32>,
        %get3A_367 = vector.shape_cast %get3A_366 : vector<1x16xf32> to vector<16xf32>
        %swap3A_368 = arith.index_cast %select_n3A_167 : i32 to index
        %swap3A_369 = arith.index_cast %select_n3A_183 : i32 to index
        %swap3A_370 = arith.constant 240 : index
        %swap3A_371 = tpu.vector_load %arg8[%swap3A_368, %swap3A_369, %swap3A_370] {strides = array<i32>} : memref<2x30x300xf32, #tpu.memory_space<vmem>>, vector<1x1x16xf32>,
        %swap3A_372 = vector.shape_cast %swap3A_371 : vector<1x1x16xf32> to vector<16xf32>
        %swap3A_373 = vector.shape_cast %get3A_367 : vector<16xf32> to vector<1x1x16xf32>
        tpu.vector_store %arg8[%swap3A_368, %swap3A_369, %swap3A_370], %swap3A_373 {strides = array<i32>} : memref<2x30x300xf32, #tpu.memory_space<vmem>>, vector<1x1x16xf32>,
        %add3A_374 = arith.constant 0 : i32
        %add3A_375 = arith.addi %scan3A_146, %add3A_374 : i32
        %get3A_376 = arith.index_cast %add3A_375 : i32 to index
        %get3A_377 = arith.constant 256 : index
        %get3A_378 = tpu.vector_load %arg6[%get3A_376, %get3A_377] {strides = array<i32>} : memref<64x384xf32, #tpu.memory_space<vmem>>, vector<1x16xf32>,
        %get3A_379 = vector.shape_cast %get3A_378 : vector<1x16xf32> to vector<16xf32>
        %swap3A_380 = arith.index_cast %select_n3A_167 : i32 to index
        %swap3A_381 = arith.index_cast %select_n3A_183 : i32 to index
        %swap3A_382 = arith.constant 256 : index
        %swap3A_383 = tpu.vector_load %arg8[%swap3A_380, %swap3A_381, %swap3A_382] {strides = array<i32>} : memref<2x30x300xf32, #tpu.memory_space<vmem>>, vector<1x1x16xf32>,
        %swap3A_384 = vector.shape_cast %swap3A_383 : vector<1x1x16xf32> to vector<16xf32>
        %swap3A_385 = vector.shape_cast %get3A_379 : vector<16xf32> to vector<1x1x16xf32>
        tpu.vector_store %arg8[%swap3A_380, %swap3A_381, %swap3A_382], %swap3A_385 {strides = array<i32>} : memref<2x30x300xf32, #tpu.memory_space<vmem>>, vector<1x1x16xf32>,
        %add3A_386 = arith.constant 0 : i32
        %add3A_387 = arith.addi %scan3A_146, %add3A_386 : i32
        %get3A_388 = arith.index_cast %add3A_387 : i32 to index
        %get3A_389 = arith.constant 272 : index
        %get3A_390 = tpu.vector_load %arg6[%get3A_388, %get3A_389] {strides = array<i32>} : memref<64x384xf32, #tpu.memory_space<vmem>>, vector<1x16xf32>,
        %get3A_391 = vector.shape_cast %get3A_390 : vector<1x16xf32> to vector<16xf32>
        %swap3A_392 = arith.index_cast %select_n3A_167 : i32 to index
        %swap3A_393 = arith.index_cast %select_n3A_183 : i32 to index
        %swap3A_394 = arith.constant 272 : index
        %swap3A_395 = tpu.vector_load %arg8[%swap3A_392, %swap3A_393, %swap3A_394] {strides = array<i32>} : memref<2x30x300xf32, #tpu.memory_space<vmem>>, vector<1x1x16xf32>,
        %swap3A_396 = vector.shape_cast %swap3A_395 : vector<1x1x16xf32> to vector<16xf32>
        %swap3A_397 = vector.shape_cast %get3A_391 : vector<16xf32> to vector<1x1x16xf32>
        tpu.vector_store %arg8[%swap3A_392, %swap3A_393, %swap3A_394], %swap3A_397 {strides = array<i32>} : memref<2x30x300xf32, #tpu.memory_space<vmem>>, vector<1x1x16xf32>,
        %add3A_398 = arith.constant 0 : i32
        %add3A_399 = arith.addi %scan3A_146, %add3A_398 : i32
        %get3A_400 = arith.index_cast %add3A_399 : i32 to index
        %get3A_401 = arith.constant 284 : index
        %get3A_402 = tpu.vector_load %arg6[%get3A_400, %get3A_401] {strides = array<i32>} : memref<64x384xf32, #tpu.memory_space<vmem>>, vector<1x16xf32>,
        %get3A_403 = vector.shape_cast %get3A_402 : vector<1x16xf32> to vector<16xf32>
        %swap3A_404 = arith.index_cast %select_n3A_167 : i32 to index
        %swap3A_405 = arith.index_cast %select_n3A_183 : i32 to index
        %swap3A_406 = arith.constant 284 : index
        %swap3A_407 = tpu.vector_load %arg8[%swap3A_404, %swap3A_405, %swap3A_406] {strides = array<i32>} : memref<2x30x300xf32, #tpu.memory_space<vmem>>, vector<1x1x16xf32>,
        %swap3A_408 = vector.shape_cast %swap3A_407 : vector<1x1x16xf32> to vector<16xf32>
        %swap3A_409 = vector.shape_cast %get3A_403 : vector<16xf32> to vector<1x1x16xf32>
        tpu.vector_store %arg8[%swap3A_404, %swap3A_405, %swap3A_406], %swap3A_409 {strides = array<i32>} : memref<2x30x300xf32, #tpu.memory_space<vmem>>, vector<1x1x16xf32>,
      }
      %scan3A_67 = arith.constant 60 : i32
      %mul3A_68 = arith.constant 4 : i32
      %mul3A_69 = arith.muli %scan3A_42, %mul3A_68 : i32
      %add3A_70 = arith.addi %mul3A_6, %mul3A_69 : i32
      %add3A_71 = arith.constant 0 : i32
      %add3A_72 = arith.addi %add3A_70, %add3A_71 : i32
      %dma_start3A_73 = arith.constant 0 : i32
      %dma_start3A_74 = arith.constant 0 : i32
      %dma_start3A_75 = tpu.memref_slice %arg4[%add3A_72, %dma_start3A_73, %dma_start3A_74] : memref<4096x30x300xf32, #tpu.memory_space<hbm>> -> memref<2x30x300xf32, #tpu.memory_space<hbm>>
      %dma_start3A_76 = arith.constant 0 : i32
      %dma_start3A_77 = arith.constant 0 : i32
      %dma_start3A_78 = tpu.memref_slice %arg4[%add3A_72, %dma_start3A_76, %dma_start3A_77] : memref<4096x30x300xf32, #tpu.memory_space<hbm>> -> memref<2x30x300xf32, #tpu.memory_space<hbm>>
      tpu.enqueue_dma source(%arg8 : memref<2x30x300xf32, #tpu.memory_space<vmem>>) target(%dma_start3A_78 : memref<2x30x300xf32, #tpu.memory_space<hbm>>) target_semaphore(%arg12 : memref<!tpu.dma_semaphore, #tpu.memory_space<semaphore_mem>>)
      %add3A_79 = arith.constant 1 : i32
      %add3A_80 = arith.addi %scan3A_42, %add3A_79 : i32
      %lt3A_81 = arith.constant 32 : i32
      %lt3A_82 = arith.cmpi slt, %add3A_80, %lt3A_81 : i32
      %convert_element_type3A_83 = arith.extui %lt3A_82 : i1 to i32
      %cond3A_84 = arith.constant 0 : i32
      %cond3A_85 = arith.cmpi ne, %convert_element_type3A_83, %cond3A_84 : i32
      scf.if %cond3A_85 {
        %add3A_146 = arith.constant 1 : i32
        %add3A_147 = arith.addi %scan3A_42, %add3A_146 : i32
        %mul3A_148 = arith.constant 120 : i32
        %mul3A_149 = arith.muli %add3A_147, %mul3A_148 : i32
        %add3A_150 = arith.addi %mul3A_4, %mul3A_149 : i32
        %jit3A_151 = arith.constant 2 : i32
        %eq3A_152 = arith.constant 0 : i32
        %eq3A_153 = arith.cmpi eq, %jit3A_151, %eq3A_152 : i32
        %jit3A_154 = arith.constant 1 : i32
        %select_n3A_155 = arith.select %eq3A_153, %jit3A_154, %jit3A_151 : i32
        %rem3A_156 = arith.remsi %add3A_147, %select_n3A_155 : i32
        %ne3A_157 = arith.constant 0 : i32
        %ne3A_158 = arith.cmpi ne, %rem3A_156, %ne3A_157 : i32
        %lt3A_159 = arith.constant 0 : i32
        %lt3A_160 = arith.cmpi slt, %rem3A_156, %lt3A_159 : i32
        %lt3A_161 = arith.constant 0 : i32
        %lt3A_162 = arith.cmpi slt, %select_n3A_155, %lt3A_161 : i32
        %ne3A_163 = arith.xori %lt3A_160, %lt3A_162 : i1
        %and3A_164 = arith.andi %ne3A_163, %ne3A_158 : i1
        %add3A_165 = arith.addi %rem3A_156, %select_n3A_155 : i32
        %select_n3A_166 = arith.select %and3A_164, %add3A_165, %rem3A_156 : i32
        %mul3A_167 = arith.constant 120 : i32
        %mul3A_168 = arith.muli %select_n3A_166, %mul3A_167 : i32
        "tpu.region"() ({
          %run_scoped3A = tpu.sem_alloc : memref<!tpu.dma_semaphore, #tpu.memory_space<semaphore_mem>>
          %dma_start3A_169 = tpu.memref_slice %arg5[%mul3A_168] : memref<240xi32, #tpu.memory_space<vmem>> -> memref<120xi32, #tpu.memory_space<vmem>>
          %dma_start3A_170 = tpu.memref_slice %arg2[%add3A_150] : memref<122880xi32, #tpu.memory_space<hbm>> -> memref<120xi32, #tpu.memory_space<hbm>>
          %dma_start3A_171 = tpu.memref_slice %arg5[%mul3A_168] : memref<240xi32, #tpu.memory_space<vmem>> -> memref<120xi32, #tpu.memory_space<vmem>>
          %dma_start3A_172 = tpu.memref_slice %arg2[%add3A_150] : memref<122880xi32, #tpu.memory_space<hbm>> -> memref<120xi32, #tpu.memory_space<hbm>>
          tpu.enqueue_dma source(%dma_start3A_172 : memref<120xi32, #tpu.memory_space<hbm>>) target(%dma_start3A_171 : memref<120xi32, #tpu.memory_space<vmem>>) target_semaphore(%run_scoped3A : memref<!tpu.dma_semaphore, #tpu.memory_space<semaphore_mem>>)
          %dma_wait3A_173 = tpu.memref_slice %arg5[%mul3A_168] : memref<240xi32, #tpu.memory_space<vmem>> -> memref<120xi32, #tpu.memory_space<vmem>>
          %dma_wait3A_174 = tpu.memref_slice %arg2[%add3A_150] : memref<122880xi32, #tpu.memory_space<hbm>> -> memref<120xi32, #tpu.memory_space<hbm>>
          %dma_wait3A_175 = tpu.memref_slice %arg5[%mul3A_168] : memref<240xi32, #tpu.memory_space<vmem>> -> memref<120xi32, #tpu.memory_space<vmem>>
          %dma_wait3A_176 = tpu.memref_slice %arg2[%add3A_150] : memref<122880xi32, #tpu.memory_space<hbm>> -> memref<120xi32, #tpu.memory_space<hbm>>
          tpu.wait_dma2 semaphore(%run_scoped3A : memref<!tpu.dma_semaphore, #tpu.memory_space<semaphore_mem>>) src(%dma_wait3A_176 : memref<120xi32, #tpu.memory_space<hbm>>) dst(%dma_wait3A_175 : memref<120xi32, #tpu.memory_space<vmem>>)
          tpu.yield
        }) : () -> ()
      } else {
      }
      %add3A_86 = arith.constant 1 : i32
      %add3A_87 = arith.addi %scan3A_42, %add3A_86 : i32
      %lt3A_88 = arith.constant 32 : i32
      %lt3A_89 = arith.cmpi slt, %add3A_87, %lt3A_88 : i32
      %convert_element_type3A_90 = arith.extui %lt3A_89 : i1 to i32
      %cond3A_91 = arith.constant 0 : i32
      %cond3A_92 = arith.cmpi ne, %convert_element_type3A_90, %cond3A_91 : i32
      scf.if %cond3A_92 {
        %add3A_146 = arith.constant 1 : i32
        %add3A_147 = arith.addi %scan3A_42, %add3A_146 : i32
        %jit3A_148 = arith.constant 2 : i32
        %eq3A_149 = arith.constant 0 : i32
        %eq3A_150 = arith.cmpi eq, %jit3A_148, %eq3A_149 : i32
        %jit3A_151 = arith.constant 1 : i32
        %select_n3A_152 = arith.select %eq3A_150, %jit3A_151, %jit3A_148 : i32
        %rem3A_153 = arith.remsi %add3A_147, %select_n3A_152 : i32
        %ne3A_154 = arith.constant 0 : i32
        %ne3A_155 = arith.cmpi ne, %rem3A_153, %ne3A_154 : i32
        %lt3A_156 = arith.constant 0 : i32
        %lt3A_157 = arith.cmpi slt, %rem3A_153, %lt3A_156 : i32
        %lt3A_158 = arith.constant 0 : i32
        %lt3A_159 = arith.cmpi slt, %select_n3A_152, %lt3A_158 : i32
        %ne3A_160 = arith.xori %lt3A_157, %lt3A_159 : i1
        %and3A_161 = arith.andi %ne3A_160, %ne3A_155 : i1
        %add3A_162 = arith.addi %rem3A_153, %select_n3A_152 : i32
        %select_n3A_163 = arith.select %and3A_161, %add3A_162, %rem3A_153 : i32
        %mul3A_164 = arith.constant 120 : i32
        %mul3A_165 = arith.muli %select_n3A_163, %mul3A_164 : i32
        %add3A_166 = arith.constant 0 : i32
        %add3A_167 = arith.addi %mul3A_165, %add3A_166 : i32
        %dma_start3A_168 = tpu.memref_slice %arg5[%add3A_167] : memref<240xi32, #tpu.memory_space<vmem>> -> memref<64xi32, #tpu.memory_space<vmem>>
        %dma_start3A_169 = arith.constant 0 : i32
        %dma_start3A_170 = arith.constant 0 : i32
        %dma_start3A_171 = tpu.memref_slice %arg3[%dma_start3A_169, %dma_start3A_170] : memref<100000x384xf32, #tpu.memory_space<hbm>> -> memref<100000x384xf32, #tpu.memory_space<hbm>>
        tpu.enqueue_indirect_dma source(%dma_start3A_171 : memref<100000x384xf32, #tpu.memory_space<hbm>>) target(%arg6 : memref<64x384xf32, #tpu.memory_space<vmem>>) offsets(%dma_start3A_168 : memref<64xi32, #tpu.memory_space<vmem>>) semaphore(%arg10 : memref<!tpu.dma_semaphore, #tpu.memory_space<semaphore_mem>>)
      } else {
      }
      %jit3A_93 = arith.constant 2 : i32
      %eq3A_94 = arith.constant 0 : i32
      %eq3A_95 = arith.cmpi eq, %jit3A_93, %eq3A_94 : i32
      %jit3A_96 = arith.constant 1 : i32
      %select_n3A_97 = arith.select %eq3A_95, %jit3A_96, %jit3A_93 : i32
      %rem3A_98 = arith.remsi %scan3A_42, %select_n3A_97 : i32
      %ne3A_99 = arith.constant 0 : i32
      %ne3A_100 = arith.cmpi ne, %rem3A_98, %ne3A_99 : i32
      %lt3A_101 = arith.constant 0 : i32
      %lt3A_102 = arith.cmpi slt, %rem3A_98, %lt3A_101 : i32
      %lt3A_103 = arith.constant 0 : i32
      %lt3A_104 = arith.cmpi slt, %select_n3A_97, %lt3A_103 : i32
      %ne3A_105 = arith.xori %lt3A_102, %lt3A_104 : i1
      %and3A_106 = arith.andi %ne3A_105, %ne3A_100 : i1
      %add3A_107 = arith.addi %rem3A_98, %select_n3A_97 : i32
      %select_n3A_108 = arith.select %and3A_106, %add3A_107, %rem3A_98 : i32
      %mul3A_109 = arith.constant 120 : i32
      %mul3A_110 = arith.muli %select_n3A_108, %mul3A_109 : i32
      %add3A_111 = arith.constant 56 : i32
      %add3A_112 = arith.addi %mul3A_110, %add3A_111 : i32
      %dma_wait3A_113 = tpu.memref_slice %arg5[%add3A_112] : memref<240xi32, #tpu.memory_space<vmem>> -> memref<64xi32, #tpu.memory_space<vmem>>
      %dma_wait3A_114 = arith.constant 0 : i32
      %dma_wait3A_115 = arith.constant 0 : i32
      %dma_wait3A_116 = tpu.memref_slice %arg3[%dma_wait3A_114, %dma_wait3A_115] : memref<100000x384xf32, #tpu.memory_space<hbm>> -> memref<100000x384xf32, #tpu.memory_space<hbm>>
      tpu.wait_indirect_dma semaphore(%arg11 : memref<!tpu.dma_semaphore, #tpu.memory_space<semaphore_mem>>) src(%dma_wait3A_116 : memref<100000x384xf32, #tpu.memory_space<hbm>>) dst(%arg7 : memref<64x384xf32, #tpu.memory_space<vmem>>)
      %gt3A_117 = arith.constant 0 : i32
      %gt3A_118 = arith.cmpi sgt, %scan3A_42, %gt3A_117 : i32
      %convert_element_type3A_119 = arith.extui %gt3A_118 : i1 to i32
      %cond3A_120 = arith.constant 0 : i32
      %cond3A_121 = arith.cmpi ne, %convert_element_type3A_119, %cond3A_120 : i32
      scf.if %cond3A_121 {
        %sub3A = arith.constant 1 : i32
        %sub3A_146 = arith.subi %scan3A_42, %sub3A : i32
        %mul3A_147 = arith.constant 4 : i32
        %mul3A_148 = arith.muli %sub3A_146, %mul3A_147 : i32
        %add3A_149 = arith.addi %mul3A_6, %mul3A_148 : i32
        %add3A_150 = arith.constant 2 : i32
        %add3A_151 = arith.addi %add3A_149, %add3A_150 : i32
        %dma_wait3A_152 = arith.constant 0 : i32
        %dma_wait3A_153 = arith.constant 0 : i32
        %dma_wait3A_154 = tpu.memref_slice %arg4[%add3A_151, %dma_wait3A_152, %dma_wait3A_153] : memref<4096x30x300xf32, #tpu.memory_space<hbm>> -> memref<2x30x300xf32, #tpu.memory_space<hbm>>
        %dma_wait3A_155 = arith.constant 0 : i32
        %dma_wait3A_156 = arith.constant 0 : i32
        %dma_wait3A_157 = tpu.memref_slice %arg4[%add3A_151, %dma_wait3A_155, %dma_wait3A_156] : memref<4096x30x300xf32, #tpu.memory_space<hbm>> -> memref<2x30x300xf32, #tpu.memory_space<hbm>>
        tpu.wait_dma2 semaphore(%arg13 : memref<!tpu.dma_semaphore, #tpu.memory_space<semaphore_mem>>) src(%arg9 : memref<2x30x300xf32, #tpu.memory_space<vmem>>) dst(%dma_wait3A_157 : memref<2x30x300xf32, #tpu.memory_space<hbm>>)
      } else {
      }
      %scan3A_122 = arith.constant 0 : i32
      %scan3A_123 = arith.constant 0 : i32
      %scan3A_124 = arith.constant 60 : i32
      %scan3A_125 = arith.addi %scan3A_123, %scan3A_124 : i32
      %scan3A_126 = arith.constant 1 : i32
      scf.for %scan3A_146 = %scan3A_123 to %scan3A_125 step %scan3A_126  : i32 {
        %jit3A_147 = arith.constant 30 : i32
        %div3A = arith.divsi %scan3A_146, %jit3A_147 : i32
        %sign3A = arith.constant 0 : i32
        %sign3A_148 = arith.cmpi sgt, %scan3A_146, %sign3A : i32
        %sign3A_149 = arith.extui %sign3A_148 : i1 to i32
        %sign3A_150 = arith.constant 0 : i32
        %sign3A_151 = arith.cmpi slt, %scan3A_146, %sign3A_150 : i32
        %sign3A_152 = arith.extui %sign3A_151 : i1 to i32
        %sign3A_153 = arith.subi %sign3A_149, %sign3A_152 : i32
        %sign3A_154 = arith.constant 0 : i32
        %sign3A_155 = arith.cmpi sgt, %jit3A_147, %sign3A_154 : i32
        %sign3A_156 = arith.extui %sign3A_155 : i1 to i32
        %sign3A_157 = arith.constant 0 : i32
        %sign3A_158 = arith.cmpi slt, %jit3A_147, %sign3A_157 : i32
        %sign3A_159 = arith.extui %sign3A_158 : i1 to i32
        %sign3A_160 = arith.subi %sign3A_156, %sign3A_159 : i32
        %ne3A_161 = arith.cmpi ne, %sign3A_153, %sign3A_160 : i32
        %rem3A_162 = arith.remsi %scan3A_146, %jit3A_147 : i32
        %ne3A_163 = arith.constant 0 : i32
        %ne3A_164 = arith.cmpi ne, %rem3A_162, %ne3A_163 : i32
        %and3A_165 = arith.andi %ne3A_161, %ne3A_164 : i1
        %sub3A = arith.constant 1 : i32
        %sub3A_166 = arith.subi %div3A, %sub3A : i32
        %select_n3A_167 = arith.select %and3A_165, %sub3A_166, %div3A : i32
        %jit3A_168 = arith.constant 30 : i32
        %eq3A_169 = arith.constant 0 : i32
        %eq3A_170 = arith.cmpi eq, %jit3A_168, %eq3A_169 : i32
        %jit3A_171 = arith.constant 1 : i32
        %select_n3A_172 = arith.select %eq3A_170, %jit3A_171, %jit3A_168 : i32
        %rem3A_173 = arith.remsi %scan3A_146, %select_n3A_172 : i32
        %ne3A_174 = arith.constant 0 : i32
        %ne3A_175 = arith.cmpi ne, %rem3A_173, %ne3A_174 : i32
        %lt3A_176 = arith.constant 0 : i32
        %lt3A_177 = arith.cmpi slt, %rem3A_173, %lt3A_176 : i32
        %lt3A_178 = arith.constant 0 : i32
        %lt3A_179 = arith.cmpi slt, %select_n3A_172, %lt3A_178 : i32
        %ne3A_180 = arith.xori %lt3A_177, %lt3A_179 : i1
        %and3A_181 = arith.andi %ne3A_180, %ne3A_175 : i1
        %add3A_182 = arith.addi %rem3A_173, %select_n3A_172 : i32
        %select_n3A_183 = arith.select %and3A_181, %add3A_182, %rem3A_173 : i32
        %add3A_184 = arith.constant 4 : i32
        %add3A_185 = arith.addi %scan3A_146, %add3A_184 : i32
        %get3A = arith.index_cast %add3A_185 : i32 to index
        %get3A_186 = arith.constant 0 : index
        %get3A_187 = tpu.vector_load %arg7[%get3A, %get3A_186] {strides = array<i32>} : memref<64x384xf32, #tpu.memory_space<vmem>>, vector<1x16xf32>,
        %get3A_188 = vector.shape_cast %get3A_187 : vector<1x16xf32> to vector<16xf32>
        %swap3A = arith.index_cast %select_n3A_167 : i32 to index
        %swap3A_189 = arith.index_cast %select_n3A_183 : i32 to index
        %swap3A_190 = arith.constant 0 : index
        %swap3A_191 = tpu.vector_load %arg9[%swap3A, %swap3A_189, %swap3A_190] {strides = array<i32>} : memref<2x30x300xf32, #tpu.memory_space<vmem>>, vector<1x1x16xf32>,
        %swap3A_192 = vector.shape_cast %swap3A_191 : vector<1x1x16xf32> to vector<16xf32>
        %swap3A_193 = vector.shape_cast %get3A_188 : vector<16xf32> to vector<1x1x16xf32>
        tpu.vector_store %arg9[%swap3A, %swap3A_189, %swap3A_190], %swap3A_193 {strides = array<i32>} : memref<2x30x300xf32, #tpu.memory_space<vmem>>, vector<1x1x16xf32>,
        %add3A_194 = arith.constant 4 : i32
        %add3A_195 = arith.addi %scan3A_146, %add3A_194 : i32
        %get3A_196 = arith.index_cast %add3A_195 : i32 to index
        %get3A_197 = arith.constant 16 : index
        %get3A_198 = tpu.vector_load %arg7[%get3A_196, %get3A_197] {strides = array<i32>} : memref<64x384xf32, #tpu.memory_space<vmem>>, vector<1x16xf32>,
        %get3A_199 = vector.shape_cast %get3A_198 : vector<1x16xf32> to vector<16xf32>
        %swap3A_200 = arith.index_cast %select_n3A_167 : i32 to index
        %swap3A_201 = arith.index_cast %select_n3A_183 : i32 to index
        %swap3A_202 = arith.constant 16 : index
        %swap3A_203 = tpu.vector_load %arg9[%swap3A_200, %swap3A_201, %swap3A_202] {strides = array<i32>} : memref<2x30x300xf32, #tpu.memory_space<vmem>>, vector<1x1x16xf32>,
        %swap3A_204 = vector.shape_cast %swap3A_203 : vector<1x1x16xf32> to vector<16xf32>
        %swap3A_205 = vector.shape_cast %get3A_199 : vector<16xf32> to vector<1x1x16xf32>
        tpu.vector_store %arg9[%swap3A_200, %swap3A_201, %swap3A_202], %swap3A_205 {strides = array<i32>} : memref<2x30x300xf32, #tpu.memory_space<vmem>>, vector<1x1x16xf32>,
        %add3A_206 = arith.constant 4 : i32
        %add3A_207 = arith.addi %scan3A_146, %add3A_206 : i32
        %get3A_208 = arith.index_cast %add3A_207 : i32 to index
        %get3A_209 = arith.constant 32 : index
        %get3A_210 = tpu.vector_load %arg7[%get3A_208, %get3A_209] {strides = array<i32>} : memref<64x384xf32, #tpu.memory_space<vmem>>, vector<1x16xf32>,
        %get3A_211 = vector.shape_cast %get3A_210 : vector<1x16xf32> to vector<16xf32>
        %swap3A_212 = arith.index_cast %select_n3A_167 : i32 to index
        %swap3A_213 = arith.index_cast %select_n3A_183 : i32 to index
        %swap3A_214 = arith.constant 32 : index
        %swap3A_215 = tpu.vector_load %arg9[%swap3A_212, %swap3A_213, %swap3A_214] {strides = array<i32>} : memref<2x30x300xf32, #tpu.memory_space<vmem>>, vector<1x1x16xf32>,
        %swap3A_216 = vector.shape_cast %swap3A_215 : vector<1x1x16xf32> to vector<16xf32>
        %swap3A_217 = vector.shape_cast %get3A_211 : vector<16xf32> to vector<1x1x16xf32>
        tpu.vector_store %arg9[%swap3A_212, %swap3A_213, %swap3A_214], %swap3A_217 {strides = array<i32>} : memref<2x30x300xf32, #tpu.memory_space<vmem>>, vector<1x1x16xf32>,
        %add3A_218 = arith.constant 4 : i32
        %add3A_219 = arith.addi %scan3A_146, %add3A_218 : i32
        %get3A_220 = arith.index_cast %add3A_219 : i32 to index
        %get3A_221 = arith.constant 48 : index
        %get3A_222 = tpu.vector_load %arg7[%get3A_220, %get3A_221] {strides = array<i32>} : memref<64x384xf32, #tpu.memory_space<vmem>>, vector<1x16xf32>,
        %get3A_223 = vector.shape_cast %get3A_222 : vector<1x16xf32> to vector<16xf32>
        %swap3A_224 = arith.index_cast %select_n3A_167 : i32 to index
        %swap3A_225 = arith.index_cast %select_n3A_183 : i32 to index
        %swap3A_226 = arith.constant 48 : index
        %swap3A_227 = tpu.vector_load %arg9[%swap3A_224, %swap3A_225, %swap3A_226] {strides = array<i32>} : memref<2x30x300xf32, #tpu.memory_space<vmem>>, vector<1x1x16xf32>,
        %swap3A_228 = vector.shape_cast %swap3A_227 : vector<1x1x16xf32> to vector<16xf32>
        %swap3A_229 = vector.shape_cast %get3A_223 : vector<16xf32> to vector<1x1x16xf32>
        tpu.vector_store %arg9[%swap3A_224, %swap3A_225, %swap3A_226], %swap3A_229 {strides = array<i32>} : memref<2x30x300xf32, #tpu.memory_space<vmem>>, vector<1x1x16xf32>,
        %add3A_230 = arith.constant 4 : i32
        %add3A_231 = arith.addi %scan3A_146, %add3A_230 : i32
        %get3A_232 = arith.index_cast %add3A_231 : i32 to index
        %get3A_233 = arith.constant 64 : index
        %get3A_234 = tpu.vector_load %arg7[%get3A_232, %get3A_233] {strides = array<i32>} : memref<64x384xf32, #tpu.memory_space<vmem>>, vector<1x16xf32>,
        %get3A_235 = vector.shape_cast %get3A_234 : vector<1x16xf32> to vector<16xf32>
        %swap3A_236 = arith.index_cast %select_n3A_167 : i32 to index
        %swap3A_237 = arith.index_cast %select_n3A_183 : i32 to index
        %swap3A_238 = arith.constant 64 : index
        %swap3A_239 = tpu.vector_load %arg9[%swap3A_236, %swap3A_237, %swap3A_238] {strides = array<i32>} : memref<2x30x300xf32, #tpu.memory_space<vmem>>, vector<1x1x16xf32>,
        %swap3A_240 = vector.shape_cast %swap3A_239 : vector<1x1x16xf32> to vector<16xf32>
        %swap3A_241 = vector.shape_cast %get3A_235 : vector<16xf32> to vector<1x1x16xf32>
        tpu.vector_store %arg9[%swap3A_236, %swap3A_237, %swap3A_238], %swap3A_241 {strides = array<i32>} : memref<2x30x300xf32, #tpu.memory_space<vmem>>, vector<1x1x16xf32>,
        %add3A_242 = arith.constant 4 : i32
        %add3A_243 = arith.addi %scan3A_146, %add3A_242 : i32
        %get3A_244 = arith.index_cast %add3A_243 : i32 to index
        %get3A_245 = arith.constant 80 : index
        %get3A_246 = tpu.vector_load %arg7[%get3A_244, %get3A_245] {strides = array<i32>} : memref<64x384xf32, #tpu.memory_space<vmem>>, vector<1x16xf32>,
        %get3A_247 = vector.shape_cast %get3A_246 : vector<1x16xf32> to vector<16xf32>
        %swap3A_248 = arith.index_cast %select_n3A_167 : i32 to index
        %swap3A_249 = arith.index_cast %select_n3A_183 : i32 to index
        %swap3A_250 = arith.constant 80 : index
        %swap3A_251 = tpu.vector_load %arg9[%swap3A_248, %swap3A_249, %swap3A_250] {strides = array<i32>} : memref<2x30x300xf32, #tpu.memory_space<vmem>>, vector<1x1x16xf32>,
        %swap3A_252 = vector.shape_cast %swap3A_251 : vector<1x1x16xf32> to vector<16xf32>
        %swap3A_253 = vector.shape_cast %get3A_247 : vector<16xf32> to vector<1x1x16xf32>
        tpu.vector_store %arg9[%swap3A_248, %swap3A_249, %swap3A_250], %swap3A_253 {strides = array<i32>} : memref<2x30x300xf32, #tpu.memory_space<vmem>>, vector<1x1x16xf32>,
        %add3A_254 = arith.constant 4 : i32
        %add3A_255 = arith.addi %scan3A_146, %add3A_254 : i32
        %get3A_256 = arith.index_cast %add3A_255 : i32 to index
        %get3A_257 = arith.constant 96 : index
        %get3A_258 = tpu.vector_load %arg7[%get3A_256, %get3A_257] {strides = array<i32>} : memref<64x384xf32, #tpu.memory_space<vmem>>, vector<1x16xf32>,
        %get3A_259 = vector.shape_cast %get3A_258 : vector<1x16xf32> to vector<16xf32>
        %swap3A_260 = arith.index_cast %select_n3A_167 : i32 to index
        %swap3A_261 = arith.index_cast %select_n3A_183 : i32 to index
        %swap3A_262 = arith.constant 96 : index
        %swap3A_263 = tpu.vector_load %arg9[%swap3A_260, %swap3A_261, %swap3A_262] {strides = array<i32>} : memref<2x30x300xf32, #tpu.memory_space<vmem>>, vector<1x1x16xf32>,
        %swap3A_264 = vector.shape_cast %swap3A_263 : vector<1x1x16xf32> to vector<16xf32>
        %swap3A_265 = vector.shape_cast %get3A_259 : vector<16xf32> to vector<1x1x16xf32>
        tpu.vector_store %arg9[%swap3A_260, %swap3A_261, %swap3A_262], %swap3A_265 {strides = array<i32>} : memref<2x30x300xf32, #tpu.memory_space<vmem>>, vector<1x1x16xf32>,
        %add3A_266 = arith.constant 4 : i32
        %add3A_267 = arith.addi %scan3A_146, %add3A_266 : i32
        %get3A_268 = arith.index_cast %add3A_267 : i32 to index
        %get3A_269 = arith.constant 112 : index
        %get3A_270 = tpu.vector_load %arg7[%get3A_268, %get3A_269] {strides = array<i32>} : memref<64x384xf32, #tpu.memory_space<vmem>>, vector<1x16xf32>,
        %get3A_271 = vector.shape_cast %get3A_270 : vector<1x16xf32> to vector<16xf32>
        %swap3A_272 = arith.index_cast %select_n3A_167 : i32 to index
        %swap3A_273 = arith.index_cast %select_n3A_183 : i32 to index
        %swap3A_274 = arith.constant 112 : index
        %swap3A_275 = tpu.vector_load %arg9[%swap3A_272, %swap3A_273, %swap3A_274] {strides = array<i32>} : memref<2x30x300xf32, #tpu.memory_space<vmem>>, vector<1x1x16xf32>,
        %swap3A_276 = vector.shape_cast %swap3A_275 : vector<1x1x16xf32> to vector<16xf32>
        %swap3A_277 = vector.shape_cast %get3A_271 : vector<16xf32> to vector<1x1x16xf32>
        tpu.vector_store %arg9[%swap3A_272, %swap3A_273, %swap3A_274], %swap3A_277 {strides = array<i32>} : memref<2x30x300xf32, #tpu.memory_space<vmem>>, vector<1x1x16xf32>,
        %add3A_278 = arith.constant 4 : i32
        %add3A_279 = arith.addi %scan3A_146, %add3A_278 : i32
        %get3A_280 = arith.index_cast %add3A_279 : i32 to index
        %get3A_281 = arith.constant 128 : index
        %get3A_282 = tpu.vector_load %arg7[%get3A_280, %get3A_281] {strides = array<i32>} : memref<64x384xf32, #tpu.memory_space<vmem>>, vector<1x16xf32>,
        %get3A_283 = vector.shape_cast %get3A_282 : vector<1x16xf32> to vector<16xf32>
        %swap3A_284 = arith.index_cast %select_n3A_167 : i32 to index
        %swap3A_285 = arith.index_cast %select_n3A_183 : i32 to index
        %swap3A_286 = arith.constant 128 : index
        %swap3A_287 = tpu.vector_load %arg9[%swap3A_284, %swap3A_285, %swap3A_286] {strides = array<i32>} : memref<2x30x300xf32, #tpu.memory_space<vmem>>, vector<1x1x16xf32>,
        %swap3A_288 = vector.shape_cast %swap3A_287 : vector<1x1x16xf32> to vector<16xf32>
        %swap3A_289 = vector.shape_cast %get3A_283 : vector<16xf32> to vector<1x1x16xf32>
        tpu.vector_store %arg9[%swap3A_284, %swap3A_285, %swap3A_286], %swap3A_289 {strides = array<i32>} : memref<2x30x300xf32, #tpu.memory_space<vmem>>, vector<1x1x16xf32>,
        %add3A_290 = arith.constant 4 : i32
        %add3A_291 = arith.addi %scan3A_146, %add3A_290 : i32
        %get3A_292 = arith.index_cast %add3A_291 : i32 to index
        %get3A_293 = arith.constant 144 : index
        %get3A_294 = tpu.vector_load %arg7[%get3A_292, %get3A_293] {strides = array<i32>} : memref<64x384xf32, #tpu.memory_space<vmem>>, vector<1x16xf32>,
        %get3A_295 = vector.shape_cast %get3A_294 : vector<1x16xf32> to vector<16xf32>
        %swap3A_296 = arith.index_cast %select_n3A_167 : i32 to index
        %swap3A_297 = arith.index_cast %select_n3A_183 : i32 to index
        %swap3A_298 = arith.constant 144 : index
        %swap3A_299 = tpu.vector_load %arg9[%swap3A_296, %swap3A_297, %swap3A_298] {strides = array<i32>} : memref<2x30x300xf32, #tpu.memory_space<vmem>>, vector<1x1x16xf32>,
        %swap3A_300 = vector.shape_cast %swap3A_299 : vector<1x1x16xf32> to vector<16xf32>
        %swap3A_301 = vector.shape_cast %get3A_295 : vector<16xf32> to vector<1x1x16xf32>
        tpu.vector_store %arg9[%swap3A_296, %swap3A_297, %swap3A_298], %swap3A_301 {strides = array<i32>} : memref<2x30x300xf32, #tpu.memory_space<vmem>>, vector<1x1x16xf32>,
        %add3A_302 = arith.constant 4 : i32
        %add3A_303 = arith.addi %scan3A_146, %add3A_302 : i32
        %get3A_304 = arith.index_cast %add3A_303 : i32 to index
        %get3A_305 = arith.constant 160 : index
        %get3A_306 = tpu.vector_load %arg7[%get3A_304, %get3A_305] {strides = array<i32>} : memref<64x384xf32, #tpu.memory_space<vmem>>, vector<1x16xf32>,
        %get3A_307 = vector.shape_cast %get3A_306 : vector<1x16xf32> to vector<16xf32>
        %swap3A_308 = arith.index_cast %select_n3A_167 : i32 to index
        %swap3A_309 = arith.index_cast %select_n3A_183 : i32 to index
        %swap3A_310 = arith.constant 160 : index
        %swap3A_311 = tpu.vector_load %arg9[%swap3A_308, %swap3A_309, %swap3A_310] {strides = array<i32>} : memref<2x30x300xf32, #tpu.memory_space<vmem>>, vector<1x1x16xf32>,
        %swap3A_312 = vector.shape_cast %swap3A_311 : vector<1x1x16xf32> to vector<16xf32>
        %swap3A_313 = vector.shape_cast %get3A_307 : vector<16xf32> to vector<1x1x16xf32>
        tpu.vector_store %arg9[%swap3A_308, %swap3A_309, %swap3A_310], %swap3A_313 {strides = array<i32>} : memref<2x30x300xf32, #tpu.memory_space<vmem>>, vector<1x1x16xf32>,
        %add3A_314 = arith.constant 4 : i32
        %add3A_315 = arith.addi %scan3A_146, %add3A_314 : i32
        %get3A_316 = arith.index_cast %add3A_315 : i32 to index
        %get3A_317 = arith.constant 176 : index
        %get3A_318 = tpu.vector_load %arg7[%get3A_316, %get3A_317] {strides = array<i32>} : memref<64x384xf32, #tpu.memory_space<vmem>>, vector<1x16xf32>,
        %get3A_319 = vector.shape_cast %get3A_318 : vector<1x16xf32> to vector<16xf32>
        %swap3A_320 = arith.index_cast %select_n3A_167 : i32 to index
        %swap3A_321 = arith.index_cast %select_n3A_183 : i32 to index
        %swap3A_322 = arith.constant 176 : index
        %swap3A_323 = tpu.vector_load %arg9[%swap3A_320, %swap3A_321, %swap3A_322] {strides = array<i32>} : memref<2x30x300xf32, #tpu.memory_space<vmem>>, vector<1x1x16xf32>,
        %swap3A_324 = vector.shape_cast %swap3A_323 : vector<1x1x16xf32> to vector<16xf32>
        %swap3A_325 = vector.shape_cast %get3A_319 : vector<16xf32> to vector<1x1x16xf32>
        tpu.vector_store %arg9[%swap3A_320, %swap3A_321, %swap3A_322], %swap3A_325 {strides = array<i32>} : memref<2x30x300xf32, #tpu.memory_space<vmem>>, vector<1x1x16xf32>,
        %add3A_326 = arith.constant 4 : i32
        %add3A_327 = arith.addi %scan3A_146, %add3A_326 : i32
        %get3A_328 = arith.index_cast %add3A_327 : i32 to index
        %get3A_329 = arith.constant 192 : index
        %get3A_330 = tpu.vector_load %arg7[%get3A_328, %get3A_329] {strides = array<i32>} : memref<64x384xf32, #tpu.memory_space<vmem>>, vector<1x16xf32>,
        %get3A_331 = vector.shape_cast %get3A_330 : vector<1x16xf32> to vector<16xf32>
        %swap3A_332 = arith.index_cast %select_n3A_167 : i32 to index
        %swap3A_333 = arith.index_cast %select_n3A_183 : i32 to index
        %swap3A_334 = arith.constant 192 : index
        %swap3A_335 = tpu.vector_load %arg9[%swap3A_332, %swap3A_333, %swap3A_334] {strides = array<i32>} : memref<2x30x300xf32, #tpu.memory_space<vmem>>, vector<1x1x16xf32>,
        %swap3A_336 = vector.shape_cast %swap3A_335 : vector<1x1x16xf32> to vector<16xf32>
        %swap3A_337 = vector.shape_cast %get3A_331 : vector<16xf32> to vector<1x1x16xf32>
        tpu.vector_store %arg9[%swap3A_332, %swap3A_333, %swap3A_334], %swap3A_337 {strides = array<i32>} : memref<2x30x300xf32, #tpu.memory_space<vmem>>, vector<1x1x16xf32>,
        %add3A_338 = arith.constant 4 : i32
        %add3A_339 = arith.addi %scan3A_146, %add3A_338 : i32
        %get3A_340 = arith.index_cast %add3A_339 : i32 to index
        %get3A_341 = arith.constant 208 : index
        %get3A_342 = tpu.vector_load %arg7[%get3A_340, %get3A_341] {strides = array<i32>} : memref<64x384xf32, #tpu.memory_space<vmem>>, vector<1x16xf32>,
        %get3A_343 = vector.shape_cast %get3A_342 : vector<1x16xf32> to vector<16xf32>
        %swap3A_344 = arith.index_cast %select_n3A_167 : i32 to index
        %swap3A_345 = arith.index_cast %select_n3A_183 : i32 to index
        %swap3A_346 = arith.constant 208 : index
        %swap3A_347 = tpu.vector_load %arg9[%swap3A_344, %swap3A_345, %swap3A_346] {strides = array<i32>} : memref<2x30x300xf32, #tpu.memory_space<vmem>>, vector<1x1x16xf32>,
        %swap3A_348 = vector.shape_cast %swap3A_347 : vector<1x1x16xf32> to vector<16xf32>
        %swap3A_349 = vector.shape_cast %get3A_343 : vector<16xf32> to vector<1x1x16xf32>
        tpu.vector_store %arg9[%swap3A_344, %swap3A_345, %swap3A_346], %swap3A_349 {strides = array<i32>} : memref<2x30x300xf32, #tpu.memory_space<vmem>>, vector<1x1x16xf32>,
        %add3A_350 = arith.constant 4 : i32
        %add3A_351 = arith.addi %scan3A_146, %add3A_350 : i32
        %get3A_352 = arith.index_cast %add3A_351 : i32 to index
        %get3A_353 = arith.constant 224 : index
        %get3A_354 = tpu.vector_load %arg7[%get3A_352, %get3A_353] {strides = array<i32>} : memref<64x384xf32, #tpu.memory_space<vmem>>, vector<1x16xf32>,
        %get3A_355 = vector.shape_cast %get3A_354 : vector<1x16xf32> to vector<16xf32>
        %swap3A_356 = arith.index_cast %select_n3A_167 : i32 to index
        %swap3A_357 = arith.index_cast %select_n3A_183 : i32 to index
        %swap3A_358 = arith.constant 224 : index
        %swap3A_359 = tpu.vector_load %arg9[%swap3A_356, %swap3A_357, %swap3A_358] {strides = array<i32>} : memref<2x30x300xf32, #tpu.memory_space<vmem>>, vector<1x1x16xf32>,
        %swap3A_360 = vector.shape_cast %swap3A_359 : vector<1x1x16xf32> to vector<16xf32>
        %swap3A_361 = vector.shape_cast %get3A_355 : vector<16xf32> to vector<1x1x16xf32>
        tpu.vector_store %arg9[%swap3A_356, %swap3A_357, %swap3A_358], %swap3A_361 {strides = array<i32>} : memref<2x30x300xf32, #tpu.memory_space<vmem>>, vector<1x1x16xf32>,
        %add3A_362 = arith.constant 4 : i32
        %add3A_363 = arith.addi %scan3A_146, %add3A_362 : i32
        %get3A_364 = arith.index_cast %add3A_363 : i32 to index
        %get3A_365 = arith.constant 240 : index
        %get3A_366 = tpu.vector_load %arg7[%get3A_364, %get3A_365] {strides = array<i32>} : memref<64x384xf32, #tpu.memory_space<vmem>>, vector<1x16xf32>,
        %get3A_367 = vector.shape_cast %get3A_366 : vector<1x16xf32> to vector<16xf32>
        %swap3A_368 = arith.index_cast %select_n3A_167 : i32 to index
        %swap3A_369 = arith.index_cast %select_n3A_183 : i32 to index
        %swap3A_370 = arith.constant 240 : index
        %swap3A_371 = tpu.vector_load %arg9[%swap3A_368, %swap3A_369, %swap3A_370] {strides = array<i32>} : memref<2x30x300xf32, #tpu.memory_space<vmem>>, vector<1x1x16xf32>,
        %swap3A_372 = vector.shape_cast %swap3A_371 : vector<1x1x16xf32> to vector<16xf32>
        %swap3A_373 = vector.shape_cast %get3A_367 : vector<16xf32> to vector<1x1x16xf32>
        tpu.vector_store %arg9[%swap3A_368, %swap3A_369, %swap3A_370], %swap3A_373 {strides = array<i32>} : memref<2x30x300xf32, #tpu.memory_space<vmem>>, vector<1x1x16xf32>,
        %add3A_374 = arith.constant 4 : i32
        %add3A_375 = arith.addi %scan3A_146, %add3A_374 : i32
        %get3A_376 = arith.index_cast %add3A_375 : i32 to index
        %get3A_377 = arith.constant 256 : index
        %get3A_378 = tpu.vector_load %arg7[%get3A_376, %get3A_377] {strides = array<i32>} : memref<64x384xf32, #tpu.memory_space<vmem>>, vector<1x16xf32>,
        %get3A_379 = vector.shape_cast %get3A_378 : vector<1x16xf32> to vector<16xf32>
        %swap3A_380 = arith.index_cast %select_n3A_167 : i32 to index
        %swap3A_381 = arith.index_cast %select_n3A_183 : i32 to index
        %swap3A_382 = arith.constant 256 : index
        %swap3A_383 = tpu.vector_load %arg9[%swap3A_380, %swap3A_381, %swap3A_382] {strides = array<i32>} : memref<2x30x300xf32, #tpu.memory_space<vmem>>, vector<1x1x16xf32>,
        %swap3A_384 = vector.shape_cast %swap3A_383 : vector<1x1x16xf32> to vector<16xf32>
        %swap3A_385 = vector.shape_cast %get3A_379 : vector<16xf32> to vector<1x1x16xf32>
        tpu.vector_store %arg9[%swap3A_380, %swap3A_381, %swap3A_382], %swap3A_385 {strides = array<i32>} : memref<2x30x300xf32, #tpu.memory_space<vmem>>, vector<1x1x16xf32>,
        %add3A_386 = arith.constant 4 : i32
        %add3A_387 = arith.addi %scan3A_146, %add3A_386 : i32
        %get3A_388 = arith.index_cast %add3A_387 : i32 to index
        %get3A_389 = arith.constant 272 : index
        %get3A_390 = tpu.vector_load %arg7[%get3A_388, %get3A_389] {strides = array<i32>} : memref<64x384xf32, #tpu.memory_space<vmem>>, vector<1x16xf32>,
        %get3A_391 = vector.shape_cast %get3A_390 : vector<1x16xf32> to vector<16xf32>
        %swap3A_392 = arith.index_cast %select_n3A_167 : i32 to index
        %swap3A_393 = arith.index_cast %select_n3A_183 : i32 to index
        %swap3A_394 = arith.constant 272 : index
        %swap3A_395 = tpu.vector_load %arg9[%swap3A_392, %swap3A_393, %swap3A_394] {strides = array<i32>} : memref<2x30x300xf32, #tpu.memory_space<vmem>>, vector<1x1x16xf32>,
        %swap3A_396 = vector.shape_cast %swap3A_395 : vector<1x1x16xf32> to vector<16xf32>
        %swap3A_397 = vector.shape_cast %get3A_391 : vector<16xf32> to vector<1x1x16xf32>
        tpu.vector_store %arg9[%swap3A_392, %swap3A_393, %swap3A_394], %swap3A_397 {strides = array<i32>} : memref<2x30x300xf32, #tpu.memory_space<vmem>>, vector<1x1x16xf32>,
        %add3A_398 = arith.constant 4 : i32
        %add3A_399 = arith.addi %scan3A_146, %add3A_398 : i32
        %get3A_400 = arith.index_cast %add3A_399 : i32 to index
        %get3A_401 = arith.constant 284 : index
        %get3A_402 = tpu.vector_load %arg7[%get3A_400, %get3A_401] {strides = array<i32>} : memref<64x384xf32, #tpu.memory_space<vmem>>, vector<1x16xf32>,
        %get3A_403 = vector.shape_cast %get3A_402 : vector<1x16xf32> to vector<16xf32>
        %swap3A_404 = arith.index_cast %select_n3A_167 : i32 to index
        %swap3A_405 = arith.index_cast %select_n3A_183 : i32 to index
        %swap3A_406 = arith.constant 284 : index
        %swap3A_407 = tpu.vector_load %arg9[%swap3A_404, %swap3A_405, %swap3A_406] {strides = array<i32>} : memref<2x30x300xf32, #tpu.memory_space<vmem>>, vector<1x1x16xf32>,
        %swap3A_408 = vector.shape_cast %swap3A_407 : vector<1x1x16xf32> to vector<16xf32>
        %swap3A_409 = vector.shape_cast %get3A_403 : vector<16xf32> to vector<1x1x16xf32>
        tpu.vector_store %arg9[%swap3A_404, %swap3A_405, %swap3A_406], %swap3A_409 {strides = array<i32>} : memref<2x30x300xf32, #tpu.memory_space<vmem>>, vector<1x1x16xf32>,
      }
      %scan3A_127 = arith.constant 60 : i32
      %mul3A_128 = arith.constant 4 : i32
      %mul3A_129 = arith.muli %scan3A_42, %mul3A_128 : i32
      %add3A_130 = arith.addi %mul3A_6, %mul3A_129 : i32
      %add3A_131 = arith.constant 2 : i32
      %add3A_132 = arith.addi %add3A_130, %add3A_131 : i32
      %dma_start3A_133 = arith.constant 0 : i32
      %dma_start3A_134 = arith.constant 0 : i32
      %dma_start3A_135 = tpu.memref_slice %arg4[%add3A_132, %dma_start3A_133, %dma_start3A_134] : memref<4096x30x300xf32, #tpu.memory_space<hbm>> -> memref<2x30x300xf32, #tpu.memory_space<hbm>>
      %dma_start3A_136 = arith.constant 0 : i32
      %dma_start3A_137 = arith.constant 0 : i32
      %dma_start3A_138 = tpu.memref_slice %arg4[%add3A_132, %dma_start3A_136, %dma_start3A_137] : memref<4096x30x300xf32, #tpu.memory_space<hbm>> -> memref<2x30x300xf32, #tpu.memory_space<hbm>>
      tpu.enqueue_dma source(%arg9 : memref<2x30x300xf32, #tpu.memory_space<vmem>>) target(%dma_start3A_138 : memref<2x30x300xf32, #tpu.memory_space<hbm>>) target_semaphore(%arg13 : memref<!tpu.dma_semaphore, #tpu.memory_space<semaphore_mem>>)
      %add3A_139 = arith.constant 1 : i32
      %add3A_140 = arith.addi %scan3A_42, %add3A_139 : i32
      %lt3A_141 = arith.constant 32 : i32
      %lt3A_142 = arith.cmpi slt, %add3A_140, %lt3A_141 : i32
      %convert_element_type3A_143 = arith.extui %lt3A_142 : i1 to i32
      %cond3A_144 = arith.constant 0 : i32
      %cond3A_145 = arith.cmpi ne, %convert_element_type3A_143, %cond3A_144 : i32
      scf.if %cond3A_145 {
        %add3A_146 = arith.constant 1 : i32
        %add3A_147 = arith.addi %scan3A_42, %add3A_146 : i32
        %jit3A_148 = arith.constant 2 : i32
        %eq3A_149 = arith.constant 0 : i32
        %eq3A_150 = arith.cmpi eq, %jit3A_148, %eq3A_149 : i32
        %jit3A_151 = arith.constant 1 : i32
        %select_n3A_152 = arith.select %eq3A_150, %jit3A_151, %jit3A_148 : i32
        %rem3A_153 = arith.remsi %add3A_147, %select_n3A_152 : i32
        %ne3A_154 = arith.constant 0 : i32
        %ne3A_155 = arith.cmpi ne, %rem3A_153, %ne3A_154 : i32
        %lt3A_156 = arith.constant 0 : i32
        %lt3A_157 = arith.cmpi slt, %rem3A_153, %lt3A_156 : i32
        %lt3A_158 = arith.constant 0 : i32
        %lt3A_159 = arith.cmpi slt, %select_n3A_152, %lt3A_158 : i32
        %ne3A_160 = arith.xori %lt3A_157, %lt3A_159 : i1
        %and3A_161 = arith.andi %ne3A_160, %ne3A_155 : i1
        %add3A_162 = arith.addi %rem3A_153, %select_n3A_152 : i32
        %select_n3A_163 = arith.select %and3A_161, %add3A_162, %rem3A_153 : i32
        %mul3A_164 = arith.constant 120 : i32
        %mul3A_165 = arith.muli %select_n3A_163, %mul3A_164 : i32
        %add3A_166 = arith.constant 56 : i32
        %add3A_167 = arith.addi %mul3A_165, %add3A_166 : i32
        %dma_start3A_168 = tpu.memref_slice %arg5[%add3A_167] : memref<240xi32, #tpu.memory_space<vmem>> -> memref<64xi32, #tpu.memory_space<vmem>>
        %dma_start3A_169 = arith.constant 0 : i32
        %dma_start3A_170 = arith.constant 0 : i32
        %dma_start3A_171 = tpu.memref_slice %arg3[%dma_start3A_169, %dma_start3A_170] : memref<100000x384xf32, #tpu.memory_space<hbm>> -> memref<100000x384xf32, #tpu.memory_space<hbm>>
        tpu.enqueue_indirect_dma source(%dma_start3A_171 : memref<100000x384xf32, #tpu.memory_space<hbm>>) target(%arg7 : memref<64x384xf32, #tpu.memory_space<vmem>>) offsets(%dma_start3A_168 : memref<64xi32, #tpu.memory_space<vmem>>) semaphore(%arg11 : memref<!tpu.dma_semaphore, #tpu.memory_space<semaphore_mem>>)
      } else {
      }
    }
    %scan3A_22 = arith.constant 32 : i32
    %add3A_23 = arith.constant 124 : i32
    %add3A_24 = arith.addi %mul3A_6, %add3A_23 : i32
    %add3A_25 = arith.constant 0 : i32
    %add3A_26 = arith.addi %add3A_24, %add3A_25 : i32
    %dma_wait3A = arith.constant 0 : i32
    %dma_wait3A_27 = arith.constant 0 : i32
    %dma_wait3A_28 = tpu.memref_slice %arg4[%add3A_26, %dma_wait3A, %dma_wait3A_27] : memref<4096x30x300xf32, #tpu.memory_space<hbm>> -> memref<2x30x300xf32, #tpu.memory_space<hbm>>
    %dma_wait3A_29 = arith.constant 0 : i32
    %dma_wait3A_30 = arith.constant 0 : i32
    %dma_wait3A_31 = tpu.memref_slice %arg4[%add3A_26, %dma_wait3A_29, %dma_wait3A_30] : memref<4096x30x300xf32, #tpu.memory_space<hbm>> -> memref<2x30x300xf32, #tpu.memory_space<hbm>>
    tpu.wait_dma2 semaphore(%arg12 : memref<!tpu.dma_semaphore, #tpu.memory_space<semaphore_mem>>) src(%arg8 : memref<2x30x300xf32, #tpu.memory_space<vmem>>) dst(%dma_wait3A_31 : memref<2x30x300xf32, #tpu.memory_space<hbm>>)
    %add3A_32 = arith.constant 124 : i32
    %add3A_33 = arith.addi %mul3A_6, %add3A_32 : i32
    %add3A_34 = arith.constant 2 : i32
    %add3A_35 = arith.addi %add3A_33, %add3A_34 : i32
    %dma_wait3A_36 = arith.constant 0 : i32
    %dma_wait3A_37 = arith.constant 0 : i32
    %dma_wait3A_38 = tpu.memref_slice %arg4[%add3A_35, %dma_wait3A_36, %dma_wait3A_37] : memref<4096x30x300xf32, #tpu.memory_space<hbm>> -> memref<2x30x300xf32, #tpu.memory_space<hbm>>
    %dma_wait3A_39 = arith.constant 0 : i32
    %dma_wait3A_40 = arith.constant 0 : i32
    %dma_wait3A_41 = tpu.memref_slice %arg4[%add3A_35, %dma_wait3A_39, %dma_wait3A_40] : memref<4096x30x300xf32, #tpu.memory_space<hbm>> -> memref<2x30x300xf32, #tpu.memory_space<hbm>>
    tpu.wait_dma2 semaphore(%arg13 : memref<!tpu.dma_semaphore, #tpu.memory_space<semaphore_mem>>) src(%arg9 : memref<2x30x300xf32, #tpu.memory_space<vmem>>) dst(%dma_wait3A_41 : memref<2x30x300xf32, #tpu.memory_space<hbm>>)
    return
  }
}

</mosaic_0001>

<sc_bundles>
// kernel: kernel.3.cloned.1.call-start
scs
__scs_entry_jumppad:
0x0: {  	(pc) =	sbr.rel $0x88, $3  }
0x1: {  	(tag) =	ssettag $0x0;
	lr =	simm.s32 $0x1  }
0x2: {  	[smem:$0x3F9F] =	sst lr;
	_ =	strace $0xD0000000  }
0x3: {  	_ = 	snop  }
0x4: {  	_ = 	snop  }
0x5: {  	_ = 	snop  }
0x6: {  	_ = 	snop  }
0x7: {  	_ = 	snop  }
__scs_overlays_trampoline_lowered:
0x8: {  	[smem:$0x3FAE] =	sst s0  }
0x9: {  	[smem:$0x3FAF] =	sst s1  }
0xa: {  	[smem:$0x3FB0] =	sst s2  }
0xb: {  	[smem:$0x3FB1] =	sst s3  }
0xc: {  	[smem:$0x3FB2] =	sst s4  }
0xd: {  	[smem:$0x3FB3] =	sst s5  }
0xe: {  	[smem:$0x3FB4] =	sst s6  }
0xf: {  	[smem:$0x3FB5] =	sst s7  }
0x10: {  	[smem:$0x3FB6] =	sst s8  }
0x11: {  	[smem:$0x3FB7] =	sst s9;
	s0 =	simm.s32 @!p0 $0x0  }
0x12: {  	s1 =	sld [smem:$0x3F9D];
	s0 =	simm.s32 @p0 $0x1  }
0x13: {  	[smem:$0x3FB8] =	sst s0;
	s0 =	simm.s32 @!p1 $0x0  }
0x14: {  	s2 =	sld [smem:$0x3F9C];
	s0 =	simm.s32 @p1 $0x1  }
0x15: {  	[smem:$0x3FB9] =	sst s0;
	s0 =	simm.s32 @!p2 $0x0  }
0x16: {  	s3 =	sld [smem:$0x3FDB];
	s0 =	simm.s32 @p2 $0x1  }
0x17: {  	s4 =	simm.s32 $0x1BF5;
	[smem:$0x3FBB] =	sst s0  }
0x18: {  	s0 =	sld [smem:$0x3F9E];
	_ =	swait.ge [sflag:s4], $0x0  }
0x19: {  	s7 =	sld [smem:$0x3F9F]  }
0x1a: {  	s8 =	sadd.s32 $0xFFFFE003, lr  }
0x1b: {  	s9 =	sadd.s32 $0xFFFFFEF7, lr;
	s5 =	simm.s32 $0xFFFFFFFF;
	p2 =	slt.u32 s8, $0xFFFFF086  }
0x1c: {  	p1 =	slt.u32 s9, $0xF7A;
	s5 =	simm.s32 @!p2 $0x0  }
0x1d: {  	s5 =	simm.s32 @p1 $0x1;
	p0 =	seq.s32 s7, s2  }
0x1e: {  	s7 =	smul.u32 @!p0 $0xF7A, s2;
	p2 =	seq.s32 @!p0 s5, $0x0  }
0x1f: {  	s9 =	smul.u32 $0xF7A, s1;
	s8 =	simm.s32 @!p0 $0x1BF5;
	p2 =	por !p2, p0  }
0x20: {  	[sflag:s8] =	ssyncset.s32 @!p0 $0xFFFFF086;
	s6 =	sadd.s32 @!p0 s3, s7;
	s7 =	simm.s32 @!p0 $0x108  }
0x21: {  	s3 =	sadd.s32 s3, s9;
	s6 =	sadd.s32 @!p0 $0x88, s6;
	s7 =	simm.s32 @p2 $0x1082  }
0x22: {  	[simem:s7], [sflag:s8] =	dma.local @!p0 [hbm:s6], $0xF7A  }
0x23: {  	s9 =	sor.u32 $0xD0000000, s2;
	s6 =	simm.s32 $0x108;
	_ =	swait.ge @!p0 [sflag:s8], $0x0  }
0x24: {  	s3 =	sadd.s32 $0x88, s3;
	s6 =	simm.s32 @!p1 $0x1082;
	[sflag:s4] =	ssyncset.s32 $0xFFFFF086  }
0x25: {  	[simem:s6], [sflag:s4] =	dma.local [hbm:s3], $0xF7A  }
0x26: {  	[smem:$0x3F9F] =	sst s1;
	(tag) =	ssettag s2;
	_ =	strace s9  }
0x27: {  	s1 =	sld [smem:$0x3FAF]  }
0x28: {  	s2 =	sld [smem:$0x3FB0]  }
0x29: {  	s4 =	sld [smem:$0x3FB2]  }
0x2a: {  	p0 =	seq.s32 s5, $0x0;
	s5 =	sld [smem:$0x3FB3]  }
0x2b: {  	s6 =	sld [smem:$0x3FB4]  }
0x2c: {  	s7 =	sld [smem:$0x3FB5]  }
0x2d: {  	s3 =	simm.s32 $0x108;
	s8 =	sld [smem:$0x3FB6]  }
0x2e: {  	s3 =	simm.s32 @!p0 $0x1082;
	s9 =	sld [smem:$0x3FB7]  }
0x2f: {  	lr =	sadd.s32 s0, s3;
	s0 =	sld [smem:$0x3FAE]  }
0x30: {  	s3 =	sld [smem:$0x3FB1]  }
0x31: {  	[smem:$0x3FBA] =	sst s10  }
0x32: {  	s10 =	sld [smem:$0x3FB8];
	_ =	sdelay $0x3  }
0x33: {  	p0 =	seq.s32 s10, $0x1;
	s10 =	sld [smem:$0x3FBA];
	_ =	sdelay $0x3  }
0x34: {  	[smem:$0x3FBA] =	sst s10  }
0x35: {  	s10 =	sld [smem:$0x3FB9];
	_ =	sdelay $0x3  }
0x36: {  	p1 =	seq.s32 s10, $0x1;
	s10 =	sld [smem:$0x3FBA];
	_ =	sdelay $0x3  }
0x37: {  	[smem:$0x3FBA] =	sst s10  }
0x38: {  	s10 =	sld [smem:$0x3FBB]  }
0x39: {  	_ = 	snop;
	(pc) =	sbr.ind lr, $3  }
0x3a: {  	_ = 	snop  }
0x3b: {  	_ = 	snop  }
0x3c: {  	p2 =	seq.s32 s10, $0x1;
	s10 =	sld [smem:$0x3FBA]  }
0x3d: {  	_ =	shalt  }
0x3e: {  	_ =	shalt  }
0x3f: {  	_ =	shalt  }
0x40: {  	_ =	shalt  }
0x41: {  	_ =	shalt  }
0x42: {  	_ =	shalt  }
0x43: {  	_ =	shalt  }
0x44: {  	_ =	shalt  }
0x45: {  	_ =	shalt  }
0x46: {  	_ =	shalt  }
0x47: {  	_ =	shalt  }
0x48: {  	_ =	shalt  }
0x49: {  	_ =	shalt  }
0x4a: {  	_ =	shalt  }
0x4b: {  	_ =	shalt  }
0x4c: {  	_ =	shalt  }
0x4d: {  	_ =	shalt  }
0x4e: {  	_ =	shalt  }
0x4f: {  	_ =	shalt  }
0x50: {  	_ =	shalt  }
0x51: {  	_ =	shalt  }
0x52: {  	_ =	shalt  }
0x53: {  	_ =	shalt  }
0x54: {  	_ =	shalt  }
0x55: {  	_ =	shalt  }
0x56: {  	_ =	shalt  }
0x57: {  	_ =	shalt  }
0x58: {  	_ =	shalt  }
0x59: {  	_ =	shalt  }
0x5a: {  	_ =	shalt  }
0x5b: {  	_ =	shalt  }
0x5c: {  	_ =	shalt  }
0x5d: {  	_ =	shalt  }
0x5e: {  	_ =	shalt  }
0x5f: {  	_ =	shalt  }
0x60: {  	_ =	shalt  }
0x61: {  	_ =	shalt  }
0x62: {  	_ =	shalt  }
0x63: {  	_ =	shalt  }
0x64: {  	_ =	shalt  }
0x65: {  	_ =	shalt  }
0x66: {  	_ =	shalt  }
0x67: {  	_ =	shalt  }
0x68: {  	_ =	shalt  }
0x69: {  	_ =	shalt  }
0x6a: {  	_ =	shalt  }
0x6b: {  	_ =	shalt  }
0x6c: {  	_ =	shalt  }
0x6d: {  	_ =	shalt  }
0x6e: {  	_ =	shalt  }
0x6f: {  	_ =	shalt  }
0x70: {  	_ =	shalt  }
0x71: {  	_ =	shalt  }
0x72: {  	_ =	shalt  }
0x73: {  	_ =	shalt  }
0x74: {  	_ =	shalt  }
0x75: {  	_ =	shalt  }
0x76: {  	_ =	shalt  }
0x77: {  	_ =	shalt  }
0x78: {  	_ =	shalt  }
0x79: {  	_ =	shalt  }
0x7a: {  	_ =	shalt  }
0x7b: {  	_ =	shalt  }
0x7c: {  	_ =	shalt  }
0x7d: {  	_ =	shalt  }
0x7e: {  	_ =	shalt  }
0x7f: {  	_ =	shalt  }
0x80: {  	_ =	shalt  }
0x81: {  	_ =	shalt  }
0x82: {  	_ =	shalt  }
0x83: {  	_ =	shalt  }
0x84: {  	_ =	shalt  }
0x85: {  	_ =	shalt  }
0x86: {  	_ =	shalt  }
0x87: {  	_ =	shalt  }
.Lfunc_end0:
.L_simem_size_0:
called_computation_lowered:
.L_overlay_start_0:
0x88: {  	s2 =	sld [smem:$0x3FD9]  }
0x89: {  	s3 =	sld [smem:$0x3FFE];
	_ =	sdelay $0x1  }
0x8a: {  	s1 =	srdreg.scid  }
0x8b: {  	s0 =	sand.u32 $0x1, s1  }
0x8c: {  	s17 =	sshll.u32 s0, $0xA;
	s2 =	sadd.s32 s3, s2  }
0x8d: {  	s2 =	sadd.s32 s2, s17  }
0x8e: {  	[smem:$0x3FC6] =	sst s2  }
0x8f: {  	_ = 	snop  }
0x90: {  	s2 =	sld [smem:$0x3FD0];
	(tm) =	ssettm $0x1  }
0x91: {  	s18 =	sld [smem:$0x3FFB];
	_ =	sdelay $0x3  }
0x92: {  	_ =	strace s18  }
0x93: {  	s3 =	sld [smem:$0x3FFC];
	_ =	sdelay $0x3  }
0x94: {  	_ =	strace s3  }
0x95: {  	s3 =	sld [smem:$0x3FFD];
	_ =	sdelay $0x3  }
0x96: {  	_ =	strace s3  }
0x97: {  	_ =	strace $0x8FFFFFFF  }
0x98: {  	s19 =	sld [smem:$0x3FDB];
	_ =	sdelay $0x1  }
0x99: {  	s4 =	simm.s32 $_scs_section_size  }
0x9a: {  	s5 =	simm.s32 $_size__tile_overlayer_lowered;
	s6 =	simm.s32 $_tile_overlayer_lowered  }
0x9b: {  	s22 =	simm.s32 $0x1BFF;
	s21 =	sshll.u32 s6, $0x1;
	s3 =	sadd.s32 s4, s19  }
0x9c: {  	s7 =	simm.s32 $0x0;
	s20 =	sshll.u32 s5, $0x1;
	s5 =	sadd.s32 s21, s3  }
0x9d: {  	[timem:s7], [sflag:s22] =	dma.local [hbm:s5], s20  }
0x9e: {  	_ =	swait.ge [sflag:s22], s20  }
0x9f: {  	s4 =	ssub.s32 $0x0, s20;
	[sflag:s22] =	ssyncset.done $0x0  }
0xa0: {  	[sflag:s22] =	ssyncadd.s32 s4;
	_ =	sdelay $0x1  }
0xa1: {  	s23 =	simm.s32 $0x1B8B  }
0xa2: {  	_ =	swait.ge [sflag:s23], $0x1  }
0xa3: {  	[sflag:s23] =	ssyncset.done $0x0  }
0xa4: {  	s25 =	simm.s32 $0x1B8E;
	s24 =	sld [smem:$0x3FFE];
	[sflag:s23] =	ssyncadd.s32 $0xFFFFFFFF  }
0xa5: {  	s26 =	simm.s32 $execute0_lowered;
	[smem:$0x3FD2] =	sst s25  }
0xa6: {  	s5 =	sshll.u32 s26, $0x1;
	_ =	strace $0x80000046;
	[dreg:$0x1] =	wrdreg $0xFFFFFFFF  }
0xa7: {  	s28 =	simm.s32 $_size_execute0_lowered;
	s3 =	sadd.s32 s3, s5;
	[dreg:$0x0] =	wrdreg $0x0  }
0xa8: {  	s5 =	sshll.u32 s28, $0x1;
	[dreg:$0x2] =	wrdreg s3  }
0xa9: {  	[dreg:$0x3] =	wrdreg s5  }
0xaa: {  	[dreg:$0x4] =	wrdreg $0xC0  }
0xab: {  	_ =	task [dreg:s7], $0x5FFFF  }
0xac: {  	[dreg:$0x1] =	wrdreg $0xFFFFFFFF  }
0xad: {  	[dreg:$0x0] =	wrdreg $0x60  }
0xae: {  	[dreg:$0x2] =	wrdreg s2  }
0xaf: {  	[dreg:$0x3] =	wrdreg s24  }
0xb0: {  	[dreg:$0x4] =	wrdreg $0x9  }
0xb1: {  	_ =	task.clear_ibuf [dreg:s7], $0x5FFFF;
	_ =	strace $0x90000046  }
0xb2: {  	s29 =	simm.s32 $0x9;
	_ =	strace $0x80000048  }
0xb3: {  	_ =	swait.ge [sflag:s29], $0x1  }
0xb4: {  	[sflag:s29] =	ssyncadd.s32 $0xFFFFFFFF  }
0xb5: {  	_ =	strace $0x90000048  }
0xb6: {  	_ =	sfence  }
0xb7: {  	s30 =	sld [smem:$0x0];
	_ =	sdelay $0x2  }
0xb8: {  	s31 =	sshll.u32 s1, $0xD;
	s1 =	sshrl.u32 s1, $0x2  }
0xb9: {  	s3 =	sand.u32 $0x4000, s31;
	s1 =	sadd.s32 s1, s30  }
0xba: {  	s0 =	sor.u32 s3, s0;
	s1 =	sshll.u32 s1, $0x11  }
0xbb: {  	s0 =	sor.u32 s1, s0  }
0xbc: {  	s0 =	sadd.s32 $0x8F2B, s0  }
0xbd: {  	[sflag:s0] =	ssyncadd.remote.s32 $0x1  }
0xbe: {  	_ =	sfence.sel $0xFFFF  }
0xbf: {  	[dreg:$0x0] =	wrdreg $0xFFFFFFFF;
	(pc) =	sbr.abs _section_cstart, $3  }
0xc0: {  	[dreg:$0x1] =	wrdreg $0xFFFFFFFF  }
0xc1: {  	_ =	task.clear_ibuf [dreg:s7], $0x2FFFF;
	_ =	strace $0x9FFFFFFF  }
0xc2: {  	(tm) =	ssettm $0x7FFFFFFF  }
0xc3: {  	_ =	shalt  }
tec
execute0_lowered:
.L_overlay_start_1:
0x0: {  	(tag) =	ssettag $0x1  }
0x1: {  	s9 =	rddreg [dreg:$0x0];
	s0 =	srdreg.scid  }
0x2: {  	s2 =	stileid.u32;
	s1 =	rddreg [dreg:$0x1];
	s3 =	simm.s32 $0x0  }
0x3: {  	s11 =	simm.s32 $0x5;
	s20 =	simm.s32 $0x3100;
	s21 =	simm.s32 $0x3900  }
0x4: {  	s22 =	simm.s32 $0x3D00;
	s23 =	simm.s32 $0x4500;
	s24 =	simm.s32 $0x4900  }
0x5: {  	s25 =	simm.s32 $0x5100;
	s28 =	simm.s32 $0x5D00;
	s30 =	simm.s32 $0x1  }
0x6: {  	s31 =	simm.s32 $0xC100;
	s0 =	sand.u32 $0x1, s0;
	s2 =	sshll.u32 s2, $0x1  }
0x7: {  	s29 =	simm.s32 $0x12100;
	[smem:$0x7FF] =	sst s3;
	s2 =	sor.u32 s0, s2  }
0x8: {  	s5 =	sadd.s32 $0x494200, s1;
	s0 =	ssub.s32 $0x2, s0;
	s4 =	smul.u32 $0xF00, s2  }
0x9: {  	s6 =	sadd.s32 $0x928000, s1;
	_ =	strace $0x80000047;
	s7 =	sshrl.u32 s0, $0x1  }
0xa: {  	s0 =	ssub.s32 s0, s7;
	s7 =	sshll.u32 s2, $0x7;
	s8 =	sshrl.u32 s4, $0x3  }
0xb: {  	v2 =	vlaneseq.u32;
	s0 =	smax.u32 s0, $0x1;
	s26 =	sadd.s32 s9, s8;
	s9 =	sadd.s32 $0x494300, s1  }
0xc: {  	vm0 =	vmmov $0xffff;
	vm1 =	vmmov $0xff;
	v1 =	vshrl.u32 v2, $0x3;
	[dreg:$0x4] =	wrdreg s0;
	s1 =	simm.s32 $0x2;
	s0 =	simm.s32 $0x4  }
0xd: {  	v0 =	vand.u32 $0x7, v2;
	v2 =	vor.u32 $0x8, v2;
	v1 =	vmul.u32 $0x8, v1;
	s8 =	simm.s32 $0x0;
	[dreg:$0x3] =	wrdreg s26;
	s26 =	simm.s32 $0x5500  }
.LBB2_1:
0xe: {  	[dreg:$0x5] =	wrdreg s8  }
0xf: {  	s2 =	rddreg [dreg:$0x3]  }
0x10: {  	[tilespmem:s3], [sflag:$0x5] =	stream.linear.gather [hbm4b:s2+s3], $0x78, $0x38;
	[tilespmem:$0x18100] =	vst v63  }
0x11: {  	_ =	swait.ge [sflag:s11], $0x78  }
0x12: {  	[sflag:s11] =	ssyncset.done $0x0  }
0x13: {  	[sflag:s11] =	ssyncadd.s32 $0xFFFFFF88  }
0x14: {  	v3 =	vld [tilespmem:$0x0];
	_ =	sdelay $0x4  }
0x15: {  	v4 =	vshrl.u32 v3, $0x3  }
0x16: {  	v4 =	vmul.u32 $0x18, v4  }
0x17: {  	v3 =	vand.u32 $0x7, v3  }
0x18: {  	v3 =	vor.u32 v3, v4  }
0x19: {  	v4 =	vperm.xlane v3, v0;
	_ =	sdelay $0x1  }
0x1a: {  	v4 =	vadd.s32 v1, v4;
	_ =	sdelay $0x1  }
0x1b: {  	v3 =	vperm.xlane v3, v2;
	_ =	sdelay $0x1  }
0x1c: {  	s16 =	simm.s32 $0x100;
	v3 =	vadd.s32 v1, v3  }
0x1d: {  	[tilespmem:s16], [sflag:$0x1] =	stream.indirect_vreg.gather [hbm4b:s5+s3], $0x80, v4, vm0, $0xb8;
	[tilespmem:$0x18100] =	vst v63  }
0x1e: {  	s17 =	simm.s32 $0x900  }
0x1f: {  	[tilespmem:s17], [sflag:$0x1] =	stream.indirect_vreg.gather [hbm4b:s9+s3], $0x80, v4, vm1, $0xb8;
	[tilespmem:$0x18100] =	vst v63  }
0x20: {  	s18 =	simm.s32 $0xD00  }
0x21: {  	[tilespmem:s18], [sflag:$0x1] =	stream.indirect_vreg.gather [hbm4b:s5+s3], $0x80, v3, vm0, $0xb8;
	[tilespmem:$0x18100] =	vst v63  }
0x22: {  	s19 =	simm.s32 $0x1500  }
0x23: {  	[tilespmem:s19], [sflag:$0x1] =	stream.indirect_vreg.gather [hbm4b:s9+s3], $0x80, v3, vm1, $0xb8;
	[tilespmem:$0x18100] =	vst v63  }
0x24: {  	v3 =	vld [tilespmem:$0x10];
	_ =	sdelay $0x4  }
0x25: {  	v57 =	vshrl.u32 v3, $0x3  }
0x26: {  	v4 =	vmul.u32 $0x18, v57  }
0x27: {  	v3 =	vand.u32 $0x7, v3  }
0x28: {  	v3 =	vor.u32 v3, v4  }
0x29: {  	v4 =	vperm.xlane v3, v0;
	_ =	sdelay $0x1  }
0x2a: {  	v4 =	vadd.s32 v1, v4;
	_ =	sdelay $0x1  }
0x2b: {  	v3 =	vperm.xlane v3, v2;
	_ =	sdelay $0x1  }
0x2c: {  	s8 =	simm.s32 $0x1900;
	v3 =	vadd.s32 v1, v3  }
0x2d: {  	[tilespmem:s8], [sflag:$0x1] =	stream.indirect_vreg.gather [hbm4b:s5+s3], $0x80, v4, vm0, $0xb8;
	[tilespmem:$0x18100] =	vst v63  }
0x2e: {  	s10 =	simm.s32 $0x2100  }
0x2f: {  	[tilespmem:s10], [sflag:$0x1] =	stream.indirect_vreg.gather [hbm4b:s9+s3], $0x80, v4, vm1, $0xb8;
	[tilespmem:$0x18100] =	vst v63  }
0x30: {  	s12 =	simm.s32 $0x2500  }
0x31: {  	[tilespmem:s12], [sflag:$0x1] =	stream.indirect_vreg.gather [hbm4b:s5+s3], $0x80, v3, vm0, $0xb8;
	[tilespmem:$0x18100] =	vst v63  }
0x32: {  	s13 =	simm.s32 $0x2D00  }
0x33: {  	[tilespmem:s13], [sflag:$0x1] =	stream.indirect_vreg.gather [hbm4b:s9+s3], $0x80, v3, vm1, $0xb8;
	[tilespmem:$0x18100] =	vst v63  }
0x34: {  	v3 =	vld [tilespmem:$0x20];
	_ =	sdelay $0x4  }
0x35: {  	v58 =	vshrl.u32 v3, $0x3  }
0x36: {  	v4 =	vmul.u32 $0x18, v58  }
0x37: {  	v3 =	vand.u32 $0x7, v3  }
0x38: {  	v3 =	vor.u32 v3, v4  }
0x39: {  	v4 =	vperm.xlane v3, v0;
	_ =	sdelay $0x1  }
0x3a: {  	v4 =	vadd.s32 v1, v4;
	_ =	sdelay $0x1  }
0x3b: {  	v3 =	vperm.xlane v3, v2;
	_ =	sdelay $0x1  }
0x3c: {  	v3 =	vadd.s32 v1, v3  }
0x3d: {  	[tilespmem:s20], [sflag:$0x1] =	stream.indirect_vreg.gather [hbm4b:s5+s3], $0x80, v4, vm0, $0xb8;
	[tilespmem:$0x18100] =	vst v63  }
0x3e: {  	_ = 	snop  }
0x3f: {  	[tilespmem:s21], [sflag:$0x1] =	stream.indirect_vreg.gather [hbm4b:s9+s3], $0x80, v4, vm1, $0xb8;
	[tilespmem:$0x18100] =	vst v63  }
0x40: {  	_ = 	snop  }
0x41: {  	[tilespmem:s22], [sflag:$0x1] =	stream.indirect_vreg.gather [hbm4b:s5+s3], $0x80, v3, vm0, $0xb8;
	[tilespmem:$0x18100] =	vst v63  }
0x42: {  	_ = 	snop  }
0x43: {  	[tilespmem:s23], [sflag:$0x1] =	stream.indirect_vreg.gather [hbm4b:s9+s3], $0x80, v3, vm1, $0xb8;
	[tilespmem:$0x18100] =	vst v63  }
0x44: {  	v3 =	vld [tilespmem:$0x30];
	_ =	sdelay $0x4  }
0x45: {  	v59 =	vshrl.u32 v3, $0x3  }
0x46: {  	v4 =	vmul.u32 $0x18, v59  }
0x47: {  	v3 =	vand.u32 $0x7, v3  }
0x48: {  	v3 =	vor.u32 v3, v4  }
0x49: {  	v4 =	vperm.xlane v3, v0;
	_ =	sdelay $0x1  }
0x4a: {  	v4 =	vadd.s32 v1, v4;
	_ =	sdelay $0x1  }
0x4b: {  	v3 =	vperm.xlane v3, v2;
	_ =	sdelay $0x1  }
0x4c: {  	v3 =	vadd.s32 v1, v3  }
0x4d: {  	[tilespmem:s24], [sflag:$0x1] =	stream.indirect_vreg.gather [hbm4b:s5+s3], $0x80, v4, vm0, $0xb8;
	[tilespmem:$0x18100] =	vst v63  }
0x4e: {  	_ = 	snop  }
0x4f: {  	[tilespmem:s25], [sflag:$0x1] =	stream.indirect_vreg.gather [hbm4b:s9+s3], $0x80, v4, vm1, $0xb8;
	[tilespmem:$0x18100] =	vst v63  }
0x50: {  	_ = 	snop  }
0x51: {  	[tilespmem:s26], [sflag:$0x1] =	stream.indirect_vreg.gather [hbm4b:s5+s3], $0x80, v3, vm0, $0xb8;
	[tilespmem:$0x18100] =	vst v63  }
0x52: {  	_ = 	snop  }
0x53: {  	[tilespmem:s28], [sflag:$0x1] =	stream.indirect_vreg.gather [hbm4b:s9+s3], $0x80, v3, vm1, $0xb8;
	[tilespmem:$0x18100] =	vst v63  }
0x54: {  	v3 =	vld [tilespmem:$0x38];
	_ =	sdelay $0x4  }
0x55: {  	v60 =	vshrl.u32 v3, $0x3  }
0x56: {  	v4 =	vmul.u32 $0x18, v60  }
0x57: {  	v3 =	vand.u32 $0x7, v3  }
0x58: {  	v3 =	vor.u32 v3, v4  }
0x59: {  	v4 =	vperm.xlane v3, v0;
	_ =	sdelay $0x1  }
0x5a: {  	v4 =	vadd.s32 v1, v4;
	_ =	sdelay $0x1  }
0x5b: {  	v3 =	vperm.xlane v3, v2;
	_ =	sdelay $0x1  }
0x5c: {  	s14 =	simm.s32 $0x6100;
	v3 =	vadd.s32 v1, v3  }
0x5d: {  	[tilespmem:s14], [sflag:$0x2] =	stream.indirect_vreg.gather [hbm4b:s5+s3], $0x80, v4, vm0, $0xb8;
	[tilespmem:$0x18100] =	vst v63  }
0x5e: {  	s15 =	simm.s32 $0x6900  }
0x5f: {  	[tilespmem:s15], [sflag:$0x2] =	stream.indirect_vreg.gather [hbm4b:s9+s3], $0x80, v4, vm1, $0xb8;
	[tilespmem:$0x18100] =	vst v63  }
0x60: {  	s16 =	simm.s32 $0x6D00  }
0x61: {  	[tilespmem:s16], [sflag:$0x2] =	stream.indirect_vreg.gather [hbm4b:s5+s3], $0x80, v3, vm0, $0xb8;
	[tilespmem:$0x18100] =	vst v63  }
0x62: {  	s17 =	simm.s32 $0x7500  }
0x63: {  	[tilespmem:s17], [sflag:$0x2] =	stream.indirect_vreg.gather [hbm4b:s9+s3], $0x80, v3, vm1, $0xb8;
	[tilespmem:$0x18100] =	vst v63  }
0x64: {  	v3 =	vld [tilespmem:$0x48];
	_ =	sdelay $0x4  }
0x65: {  	v61 =	vshrl.u32 v3, $0x3  }
0x66: {  	v4 =	vmul.u32 $0x18, v61  }
0x67: {  	v3 =	vand.u32 $0x7, v3  }
0x68: {  	v3 =	vor.u32 v3, v4  }
0x69: {  	v4 =	vperm.xlane v3, v0;
	_ =	sdelay $0x1  }
0x6a: {  	v4 =	vadd.s32 v1, v4;
	_ =	sdelay $0x1  }
0x6b: {  	v3 =	vperm.xlane v3, v2;
	_ =	sdelay $0x1  }
0x6c: {  	s18 =	simm.s32 $0x7900;
	v3 =	vadd.s32 v1, v3  }
0x6d: {  	[tilespmem:s18], [sflag:$0x2] =	stream.indirect_vreg.gather [hbm4b:s5+s3], $0x80, v4, vm0, $0xb8;
	[tilespmem:$0x18100] =	vst v63  }
0x6e: {  	s19 =	simm.s32 $0x8100  }
0x6f: {  	[tilespmem:s19], [sflag:$0x2] =	stream.indirect_vreg.gather [hbm4b:s9+s3], $0x80, v4, vm1, $0xb8;
	[tilespmem:$0x18100] =	vst v63  }
0x70: {  	s8 =	simm.s32 $0x8500  }
0x71: {  	[tilespmem:s8], [sflag:$0x2] =	stream.indirect_vreg.gather [hbm4b:s5+s3], $0x80, v3, vm0, $0xb8;
	[tilespmem:$0x18100] =	vst v63  }
0x72: {  	s10 =	simm.s32 $0x8D00  }
0x73: {  	[tilespmem:s10], [sflag:$0x2] =	stream.indirect_vreg.gather [hbm4b:s9+s3], $0x80, v3, vm1, $0xb8;
	[tilespmem:$0x18100] =	vst v63  }
0x74: {  	v3 =	vld [tilespmem:$0x58];
	_ =	sdelay $0x4  }
0x75: {  	v62 =	vshrl.u32 v3, $0x3  }
0x76: {  	v4 =	vmul.u32 $0x18, v62  }
0x77: {  	v3 =	vand.u32 $0x7, v3  }
0x78: {  	v3 =	vor.u32 v3, v4  }
0x79: {  	v4 =	vperm.xlane v3, v0;
	_ =	sdelay $0x1  }
0x7a: {  	v4 =	vadd.s32 v1, v4;
	_ =	sdelay $0x1  }
0x7b: {  	v3 =	vperm.xlane v3, v2;
	_ =	sdelay $0x1  }
0x7c: {  	s12 =	simm.s32 $0x9100;
	v3 =	vadd.s32 v1, v3  }
0x7d: {  	[tilespmem:s12], [sflag:$0x2] =	stream.indirect_vreg.gather [hbm4b:s5+s3], $0x80, v4, vm0, $0xb8;
	[tilespmem:$0x18100] =	vst v63  }
0x7e: {  	s13 =	simm.s32 $0x9900  }
0x7f: {  	[tilespmem:s13], [sflag:$0x2] =	stream.indirect_vreg.gather [hbm4b:s9+s3], $0x80, v4, vm1, $0xb8;
	[tilespmem:$0x18100] =	vst v63  }
0x80: {  	s14 =	simm.s32 $0x9D00  }
0x81: {  	[tilespmem:s14], [sflag:$0x2] =	stream.indirect_vreg.gather [hbm4b:s5+s3], $0x80, v3, vm0, $0xb8;
	[tilespmem:$0x18100] =	vst v63  }
0x82: {  	s15 =	simm.s32 $0xA500  }
0x83: {  	[tilespmem:s15], [sflag:$0x2] =	stream.indirect_vreg.gather [hbm4b:s9+s3], $0x80, v3, vm1, $0xb8;
	[tilespmem:$0x18100] =	vst v63  }
0x84: {  	v3 =	vld [tilespmem:$0x68];
	_ =	sdelay $0x4  }
0x85: {  	v63 =	vshrl.u32 v3, $0x3  }
0x86: {  	v4 =	vmul.u32 $0x18, v63  }
0x87: {  	v3 =	vand.u32 $0x7, v3  }
0x88: {  	v3 =	vor.u32 v3, v4  }
0x89: {  	v4 =	vperm.xlane v3, v0;
	_ =	sdelay $0x1  }
0x8a: {  	v4 =	vadd.s32 v1, v4;
	_ =	sdelay $0x1  }
0x8b: {  	v3 =	vperm.xlane v3, v2;
	_ =	sdelay $0x1  }
0x8c: {  	s16 =	simm.s32 $0xA900;
	v3 =	vadd.s32 v1, v3  }
0x8d: {  	[tilespmem:s16], [sflag:$0x2] =	stream.indirect_vreg.gather [hbm4b:s5+s3], $0x80, v4, vm0, $0xb8;
	[tilespmem:$0x18100] =	vst v63  }
0x8e: {  	s17 =	simm.s32 $0xB100  }
0x8f: {  	[tilespmem:s17], [sflag:$0x2] =	stream.indirect_vreg.gather [hbm4b:s9+s3], $0x80, v4, vm1, $0xb8;
	[tilespmem:$0x18100] =	vst v63  }
0x90: {  	s18 =	simm.s32 $0xB500  }
0x91: {  	[tilespmem:s18], [sflag:$0x2] =	stream.indirect_vreg.gather [hbm4b:s5+s3], $0x80, v3, vm0, $0xb8;
	[tilespmem:$0x18100] =	vst v63  }
0x92: {  	s19 =	simm.s32 $0xBD00;
	s8 =	simm.s32 $0x0  }
0x93: {  	[tilespmem:s19], [sflag:$0x2] =	stream.indirect_vreg.gather [hbm4b:s9+s3], $0x80, v3, vm1, $0xb8;
	[tilespmem:$0x18100] =	vst v63  }
.LBB2_2:
0x94: {  	s10 =	smov.u32 s8  }
0x95: {  	_ =	swait.ge [sflag:s30], $0x6000;
	p0 =	seq.s32 s8, $0x0;
	s2 =	simm.s32 $0x0  }
0x96: {  	s13 =	simm.s32 $0xFFFFFFE2;
	[sflag:s30] =	ssyncset.done $0x0;
	s8 =	simm.s32 @!p0 $0x3  }
0x97: {  	s12 =	smul.u32 $0x3000, s2;
	s2 =	simm.s32 $0x0;
	[sflag:s30] =	ssyncadd.s32 $0xFFFFA000  }
0x98: {  	s13 =	smin.u32 s2, s13;
	_ =	swait.ge @!p0 [sflag:s8], $0x6000  }
0x99: {  	s14 =	sand.u32 $0x380, s2;
	s12 =	sshra.s32 s12, $0x2;
	[sflag:s8] =	ssyncset.done @!p0 $0x0  }
0x9a: {  	s19 =	sshrl.u32 s13, $0x3;
	s14 =	sor.u32 s14, s12;
	[sflag:s8] =	ssyncadd.s32 @!p0 $0xFFFFA000  }
0x9b: {  	s8 =	smul.u32 $0x3000, s19;
	v3 =	vld [tilespmem:s14+$0x100]  }
0x9c: {  	p1 =	por $0x0, $0x0;
	s12 =	simm.s32 $0x3000  }
0x9d: {  	s13 =	sshll.u32 s13, $0x7;
	s12 =	simm.s32 @!p1 $0x0;
	s8 =	sshra.s32 s8, $0x2  }
0x9e: {  	s13 =	sand.u32 $0x380, s13;
	s8 =	sadd.s32 s12, s8  }
0x9f: {  	s8 =	sor.u32 s13, s8  }
0xa0: {  	[tilespmem:s8+$0xC100] =	vst v3  }
0xa1: {  	v3 =	vld [tilespmem:s14+$0x110];
	_ =	sdelay $0x4  }
0xa2: {  	[tilespmem:s8+$0xC110] =	vst v3  }
0xa3: {  	v3 =	vld [tilespmem:s14+$0x120];
	_ =	sdelay $0x4  }
0xa4: {  	[tilespmem:s8+$0xC120] =	vst v3  }
0xa5: {  	v3 =	vld [tilespmem:s14+$0x130];
	_ =	sdelay $0x4  }
0xa6: {  	[tilespmem:s8+$0xC130] =	vst v3  }
0xa7: {  	v3 =	vld [tilespmem:s14+$0x140];
	_ =	sdelay $0x4  }
0xa8: {  	[tilespmem:s8+$0xC140] =	vst v3  }
0xa9: {  	v3 =	vld [tilespmem:s14+$0x150];
	_ =	sdelay $0x4  }
0xaa: {  	[tilespmem:s8+$0xC150] =	vst v3  }
0xab: {  	v3 =	vld [tilespmem:s14+$0x160];
	_ =	sdelay $0x4  }
0xac: {  	[tilespmem:s8+$0xC160] =	vst v3  }
0xad: {  	v3 =	vld [tilespmem:s14+$0x170];
	_ =	sdelay $0x4  }
0xae: {  	[tilespmem:s8+$0xC170] =	vst v3  }
0xaf: {  	v3 =	vld [tilespmem:s14+$0x500];
	_ =	sdelay $0x4  }
0xb0: {  	[tilespmem:s8+$0xC500] =	vst v3  }
0xb1: {  	v3 =	vld [tilespmem:s14+$0x510];
	_ =	sdelay $0x4  }
0xb2: {  	[tilespmem:s8+$0xC510] =	vst v3  }
0xb3: {  	v3 =	vld [tilespmem:s14+$0x520];
	_ =	sdelay $0x4  }
0xb4: {  	[tilespmem:s8+$0xC520] =	vst v3  }
0xb5: {  	v3 =	vld [tilespmem:s14+$0x530];
	_ =	sdelay $0x4  }
0xb6: {  	[tilespmem:s8+$0xC530] =	vst v3  }
0xb7: {  	v3 =	vld [tilespmem:s14+$0x540];
	_ =	sdelay $0x4  }
0xb8: {  	[tilespmem:s8+$0xC540] =	vst v3  }
0xb9: {  	v3 =	vld [tilespmem:s14+$0x550];
	_ =	sdelay $0x4  }
0xba: {  	[tilespmem:s8+$0xC550] =	vst v3  }
0xbb: {  	v3 =	vld [tilespmem:s14+$0x560];
	_ =	sdelay $0x4  }
0xbc: {  	[tilespmem:s8+$0xC560] =	vst v3  }
0xbd: {  	v3 =	vld [tilespmem:s14+$0x570];
	_ =	sdelay $0x4  }
0xbe: {  	[tilespmem:s8+$0xC570] =	vst v3  }
0xbf: {  	v3 =	vld [tilespmem:s14+$0x900];
	_ =	sdelay $0x4  }
0xc0: {  	[tilespmem:s8+$0xC900] =	vst v3  }
0xc1: {  	v3 =	vld [tilespmem:s14+$0x910];
	_ =	sdelay $0x4  }
0xc2: {  	[tilespmem:s8+$0xC910] =	vst v3  }
0xc3: {  	v3 =	vld.msk [tilespmem:s14+$0x920], $0xfff  }
0xc4: {  	s12 =	simm.s32 $0x1;
	s13 =	simm.s32 $0x2;
	s14 =	simm.s32 $0x0  }
.LBB2_3:
0xc5: {  	p1 =	sne.s32 s13, $0x3B;
	s14 =	smul.u32 $0x3000, s14  }
0xc6: {  	s15 =	sadd.s32 $0xFFFFFFE2, s12;
	s2 =	sadd.s32 $0x80, s2  }
0xc7: {  	s15 =	smin.u32 s12, s15;
	s16 =	sand.u32 $0x380, s2;
	s14 =	sshra.s32 s14, $0x2  }
0xc8: {  	s14 =	sor.u32 s16, s14;
	s16 =	sshrl.u32 s15, $0x3;
	[tilespmem:s8+$0xC920] =	vst.msk $0xfff, v3  }
0xc9: {  	v3 =	vld [tilespmem:s14+$0x100];
	s8 =	smul.u32 $0x3000, s16  }
0xca: {  	p2 =	sgt.u32 s12, $0x1D;
	s12 =	smov.u32 s13;
	s16 =	simm.s32 $0x3000  }
0xcb: {  	s15 =	sshll.u32 s15, $0x7;
	s16 =	simm.s32 @!p2 $0x0;
	s8 =	sshra.s32 s8, $0x2  }
0xcc: {  	s15 =	sand.u32 $0x380, s15;
	s8 =	sadd.s32 s16, s8  }
0xcd: {  	s8 =	sor.u32 s15, s8  }
0xce: {  	[tilespmem:s8+$0xC100] =	vst v3  }
0xcf: {  	v3 =	vld [tilespmem:s14+$0x110];
	_ =	sdelay $0x4  }
0xd0: {  	[tilespmem:s8+$0xC110] =	vst v3  }
0xd1: {  	v3 =	vld [tilespmem:s14+$0x120];
	_ =	sdelay $0x4  }
0xd2: {  	[tilespmem:s8+$0xC120] =	vst v3  }
0xd3: {  	v3 =	vld [tilespmem:s14+$0x130];
	_ =	sdelay $0x4  }
0xd4: {  	[tilespmem:s8+$0xC130] =	vst v3  }
0xd5: {  	v3 =	vld [tilespmem:s14+$0x140];
	_ =	sdelay $0x4  }
0xd6: {  	[tilespmem:s8+$0xC140] =	vst v3  }
0xd7: {  	v3 =	vld [tilespmem:s14+$0x150];
	_ =	sdelay $0x4  }
0xd8: {  	[tilespmem:s8+$0xC150] =	vst v3  }
0xd9: {  	v3 =	vld [tilespmem:s14+$0x160];
	_ =	sdelay $0x4  }
0xda: {  	[tilespmem:s8+$0xC160] =	vst v3  }
0xdb: {  	v3 =	vld [tilespmem:s14+$0x170];
	_ =	sdelay $0x4  }
0xdc: {  	[tilespmem:s8+$0xC170] =	vst v3  }
0xdd: {  	v3 =	vld [tilespmem:s14+$0x500];
	_ =	sdelay $0x4  }
0xde: {  	[tilespmem:s8+$0xC500] =	vst v3  }
0xdf: {  	v3 =	vld [tilespmem:s14+$0x510];
	_ =	sdelay $0x4  }
0xe0: {  	[tilespmem:s8+$0xC510] =	vst v3  }
0xe1: {  	v3 =	vld [tilespmem:s14+$0x520];
	_ =	sdelay $0x4  }
0xe2: {  	[tilespmem:s8+$0xC520] =	vst v3  }
0xe3: {  	v3 =	vld [tilespmem:s14+$0x530];
	_ =	sdelay $0x4  }
0xe4: {  	[tilespmem:s8+$0xC530] =	vst v3  }
0xe5: {  	v3 =	vld [tilespmem:s14+$0x540];
	_ =	sdelay $0x4  }
0xe6: {  	[tilespmem:s8+$0xC540] =	vst v3  }
0xe7: {  	v3 =	vld [tilespmem:s14+$0x550];
	_ =	sdelay $0x4  }
0xe8: {  	[tilespmem:s8+$0xC550] =	vst v3  }
0xe9: {  	v3 =	vld [tilespmem:s14+$0x560];
	_ =	sdelay $0x4  }
0xea: {  	[tilespmem:s8+$0xC560] =	vst v3  }
0xeb: {  	v3 =	vld [tilespmem:s14+$0x570];
	_ =	sdelay $0x4  }
0xec: {  	[tilespmem:s8+$0xC570] =	vst v3  }
0xed: {  	v3 =	vld [tilespmem:s14+$0x900];
	_ =	sdelay $0x4  }
0xee: {  	[tilespmem:s8+$0xC900] =	vst v3  }
0xef: {  	v3 =	vld [tilespmem:s14+$0x910];
	_ =	sdelay $0x2  }
.Ltmp0:
0xf0: {  	(pc) =	sbr.rel @p1 .LBB2_3-.Ltmp0, $4  }
0xf1: {  	_ = 	snop  }
0xf2: {  	[tilespmem:s8+$0xC910] =	vst v3  }
0xf3: {  	v3 =	vld.msk [tilespmem:s14+$0x920], $0xfff  }
0xf4: {  	s13 =	sadd.s32 $0x1, s13;
	s14 =	sshrl.u32 s12, $0x3  }
0xf5: {  	s13 =	smul.u32 $0x3000, s14  }
0xf6: {  	s18 =	sadd.s32 $0xFFFFFFE2, s12;
	s2 =	sadd.s32 $0x80, s2  }
0xf7: {  	s14 =	smin.u32 s12, s18;
	s2 =	sand.u32 $0x380, s2;
	s13 =	sshra.s32 s13, $0x2  }
0xf8: {  	s19 =	sshrl.u32 s14, $0x3;
	s2 =	sor.u32 s2, s13;
	[tilespmem:s8+$0xC920] =	vst.msk $0xfff, v3  }
0xf9: {  	s15 =	smul.u32 $0x3000, s19;
	v3 =	vld [tilespmem:s2+$0x100]  }
0xfa: {  	p1 =	sgt.u32 s12, $0x1D;
	s12 =	simm.s32 $0x3000  }
0xfb: {  	s12 =	simm.s32 @!p1 $0x0;
	s16 =	sshll.u32 s14, $0x7;
	s8 =	sshra.s32 s15, $0x2  }
0xfc: {  	s13 =	sand.u32 $0x380, s16;
	s8 =	sadd.s32 s12, s8  }
0xfd: {  	s8 =	sor.u32 s13, s8  }
0xfe: {  	[tilespmem:s8+$0xC100] =	vst v3  }
0xff: {  	v3 =	vld [tilespmem:s2+$0x110];
	_ =	sdelay $0x4  }
0x100: {  	[tilespmem:s8+$0xC110] =	vst v3  }
0x101: {  	v3 =	vld [tilespmem:s2+$0x120];
	_ =	sdelay $0x4  }
0x102: {  	[tilespmem:s8+$0xC120] =	vst v3  }
0x103: {  	v3 =	vld [tilespmem:s2+$0x130];
	_ =	sdelay $0x4  }
0x104: {  	[tilespmem:s8+$0xC130] =	vst v3  }
0x105: {  	v3 =	vld [tilespmem:s2+$0x140];
	_ =	sdelay $0x4  }
0x106: {  	[tilespmem:s8+$0xC140] =	vst v3  }
0x107: {  	v3 =	vld [tilespmem:s2+$0x150];
	_ =	sdelay $0x4  }
0x108: {  	[tilespmem:s8+$0xC150] =	vst v3  }
0x109: {  	v3 =	vld [tilespmem:s2+$0x160];
	_ =	sdelay $0x4  }
0x10a: {  	[tilespmem:s8+$0xC160] =	vst v3  }
0x10b: {  	v3 =	vld [tilespmem:s2+$0x170];
	_ =	sdelay $0x4  }
0x10c: {  	[tilespmem:s8+$0xC170] =	vst v3  }
0x10d: {  	v3 =	vld [tilespmem:s2+$0x500];
	_ =	sdelay $0x4  }
0x10e: {  	[tilespmem:s8+$0xC500] =	vst v3  }
0x10f: {  	v3 =	vld [tilespmem:s2+$0x510];
	_ =	sdelay $0x4  }
0x110: {  	[tilespmem:s8+$0xC510] =	vst v3  }
0x111: {  	v3 =	vld [tilespmem:s2+$0x520];
	_ =	sdelay $0x4  }
0x112: {  	[tilespmem:s8+$0xC520] =	vst v3  }
0x113: {  	v3 =	vld [tilespmem:s2+$0x530];
	_ =	sdelay $0x4  }
0x114: {  	[tilespmem:s8+$0xC530] =	vst v3  }
0x115: {  	v3 =	vld [tilespmem:s2+$0x540];
	_ =	sdelay $0x4  }
0x116: {  	[tilespmem:s8+$0xC540] =	vst v3  }
0x117: {  	v3 =	vld [tilespmem:s2+$0x550];
	_ =	sdelay $0x4  }
0x118: {  	[tilespmem:s8+$0xC550] =	vst v3  }
0x119: {  	v3 =	vld [tilespmem:s2+$0x560];
	_ =	sdelay $0x4  }
0x11a: {  	[tilespmem:s8+$0xC560] =	vst v3  }
0x11b: {  	v3 =	vld [tilespmem:s2+$0x570];
	_ =	sdelay $0x4  }
0x11c: {  	[tilespmem:s8+$0xC570] =	vst v3  }
0x11d: {  	v3 =	vld [tilespmem:s2+$0x900];
	_ =	sdelay $0x4  }
0x11e: {  	[tilespmem:s8+$0xC900] =	vst v3  }
0x11f: {  	v3 =	vld [tilespmem:s2+$0x910];
	_ =	sdelay $0x4  }
0x120: {  	[tilespmem:s8+$0xC910] =	vst v3  }
0x121: {  	v3 =	vld.msk [tilespmem:s2+$0x920], $0xfff  }
0x122: {  	s17 =	sshll.u32 s10, $0x2;
	p1 =	sne.s32 s10, $0x1F  }
.Ltmp1:
0x123: {  	s2 =	sadd.s32 s7, s17;
	(pc) =	sbr.rel @p1 .LBB2_6-.Ltmp1, $3  }
0x124: {  	s18 =	smul.u32 $0x600, s2;
	_ =	sdelay $0x1  }
0x125: {  	s19 =	sadd.s32 s6, s18;
	[tilespmem:s8+$0xC920] =	vst.msk $0xfff, v3;
	s8 =	sadd.s32 $0x1, s10  }
0x126: {  	[hbm4b:s19+s3] =	stream.linear.scatter [tilespmem:s31], [sflag:$0x3], $0x6000, $0x38;
	[tilespmem:$0x18100] =	vst v63  }
.Ltmp2:
0x127: {  	(pc) =	sbr.rel .LBB2_7-.Ltmp2, $4  }
0x128: {  	_ = 	snop  }
0x129: {  	_ =	swait.ge [sflag:s1], $0x6000  }
0x12a: {  	[sflag:s1] =	ssyncset.done $0x0  }
0x12b: {  	[sflag:s1] =	ssyncadd.s32 $0xFFFFA000  }
.LBB2_6:
0x12c: {  	s12 =	smul.u32 $0x78, s8;
	_ =	sdelay $0x1  }
0x12d: {  	s13 =	sand.u32 $0x1, s8;
	s14 =	rddreg [dreg:$0x0];
	s12 =	sadd.s32 s4, s12  }
0x12e: {  	p1 =	seq.s32 s13, $0x1;
	s13 =	simm.s32 $0x78;
	s12 =	sshrl.u32 s12, $0x3  }
0x12f: {  	s13 =	simm.s32 @!p1 $0x0;
	s12 =	sadd.s32 s14, s12  }
0x130: {  	[tilespmem:s13], [sflag:$0x5] =	stream.linear.gather [hbm4b:s12+s3], $0x78, $0x38;
	[tilespmem:$0x18100] =	vst v63  }
0x131: {  	_ =	swait.ge [sflag:s11], $0x78  }
0x132: {  	[sflag:s11] =	ssyncset.done $0x0  }
0x133: {  	[sflag:s11] =	ssyncadd.s32 $0xFFFFFF88  }
0x134: {  	v3 =	vld [tilespmem:s13+$0x0];
	_ =	sdelay $0x4  }
0x135: {  	v4 =	vshrl.u32 v3, $0x3  }
0x136: {  	v4 =	vmul.u32 $0x18, v4  }
0x137: {  	v3 =	vand.u32 $0x7, v3  }
0x138: {  	v3 =	vor.u32 v3, v4  }
0x139: {  	v4 =	vperm.xlane v3, v0;
	_ =	sdelay $0x1  }
0x13a: {  	v4 =	vadd.s32 v1, v4;
	_ =	sdelay $0x1  }
0x13b: {  	v3 =	vperm.xlane v3, v2;
	_ =	sdelay $0x1  }
0x13c: {  	s18 =	simm.s32 $0x100;
	v3 =	vadd.s32 v1, v3  }
0x13d: {  	[tilespmem:s18], [sflag:$0x1] =	stream.indirect_vreg.gather [hbm4b:s5+s3], $0x80, v4, vm0, $0xb8;
	[tilespmem:$0x18100] =	vst v63  }
0x13e: {  	s19 =	simm.s32 $0x900  }
0x13f: {  	[tilespmem:s19], [sflag:$0x1] =	stream.indirect_vreg.gather [hbm4b:s9+s3], $0x80, v4, vm1, $0xb8;
	[tilespmem:$0x18100] =	vst v63  }
0x140: {  	s14 =	simm.s32 $0xD00  }
0x141: {  	[tilespmem:s14], [sflag:$0x1] =	stream.indirect_vreg.gather [hbm4b:s5+s3], $0x80, v3, vm0, $0xb8;
	[tilespmem:$0x18100] =	vst v63  }
0x142: {  	s15 =	simm.s32 $0x1500  }
0x143: {  	[tilespmem:s15], [sflag:$0x1] =	stream.indirect_vreg.gather [hbm4b:s9+s3], $0x80, v3, vm1, $0xb8;
	[tilespmem:$0x18100] =	vst v63  }
0x144: {  	v3 =	vld [tilespmem:s13+$0x10];
	_ =	sdelay $0x4  }
0x145: {  	v61 =	vshrl.u32 v3, $0x3  }
0x146: {  	v4 =	vmul.u32 $0x18, v61  }
0x147: {  	v3 =	vand.u32 $0x7, v3  }
0x148: {  	v3 =	vor.u32 v3, v4  }
0x149: {  	v4 =	vperm.xlane v3, v0;
	_ =	sdelay $0x1  }
0x14a: {  	v4 =	vadd.s32 v1, v4;
	_ =	sdelay $0x1  }
0x14b: {  	v3 =	vperm.xlane v3, v2;
	_ =	sdelay $0x1  }
0x14c: {  	s16 =	simm.s32 $0x1900;
	v3 =	vadd.s32 v1, v3  }
0x14d: {  	[tilespmem:s16], [sflag:$0x1] =	stream.indirect_vreg.gather [hbm4b:s5+s3], $0x80, v4, vm0, $0xb8;
	[tilespmem:$0x18100] =	vst v63  }
0x14e: {  	s17 =	simm.s32 $0x2100  }
0x14f: {  	[tilespmem:s17], [sflag:$0x1] =	stream.indirect_vreg.gather [hbm4b:s9+s3], $0x80, v4, vm1, $0xb8;
	[tilespmem:$0x18100] =	vst v63  }
0x150: {  	s18 =	simm.s32 $0x2500  }
0x151: {  	[tilespmem:s18], [sflag:$0x1] =	stream.indirect_vreg.gather [hbm4b:s5+s3], $0x80, v3, vm0, $0xb8;
	[tilespmem:$0x18100] =	vst v63  }
0x152: {  	s19 =	simm.s32 $0x2D00  }
0x153: {  	[tilespmem:s19], [sflag:$0x1] =	stream.indirect_vreg.gather [hbm4b:s9+s3], $0x80, v3, vm1, $0xb8;
	[tilespmem:$0x18100] =	vst v63  }
0x154: {  	v3 =	vld [tilespmem:s13+$0x20];
	_ =	sdelay $0x4  }
0x155: {  	v62 =	vshrl.u32 v3, $0x3  }
0x156: {  	v4 =	vmul.u32 $0x18, v62  }
0x157: {  	v3 =	vand.u32 $0x7, v3  }
0x158: {  	v3 =	vor.u32 v3, v4  }
0x159: {  	v4 =	vperm.xlane v3, v0;
	_ =	sdelay $0x1  }
0x15a: {  	v4 =	vadd.s32 v1, v4;
	_ =	sdelay $0x1  }
0x15b: {  	v3 =	vperm.xlane v3, v2;
	_ =	sdelay $0x1  }
0x15c: {  	v3 =	vadd.s32 v1, v3  }
0x15d: {  	[tilespmem:s20], [sflag:$0x1] =	stream.indirect_vreg.gather [hbm4b:s5+s3], $0x80, v4, vm0, $0xb8;
	[tilespmem:$0x18100] =	vst v63  }
0x15e: {  	_ = 	snop  }
0x15f: {  	[tilespmem:s21], [sflag:$0x1] =	stream.indirect_vreg.gather [hbm4b:s9+s3], $0x80, v4, vm1, $0xb8;
	[tilespmem:$0x18100] =	vst v63  }
0x160: {  	_ = 	snop  }
0x161: {  	[tilespmem:s22], [sflag:$0x1] =	stream.indirect_vreg.gather [hbm4b:s5+s3], $0x80, v3, vm0, $0xb8;
	[tilespmem:$0x18100] =	vst v63  }
0x162: {  	_ = 	snop  }
0x163: {  	[tilespmem:s23], [sflag:$0x1] =	stream.indirect_vreg.gather [hbm4b:s9+s3], $0x80, v3, vm1, $0xb8;
	[tilespmem:$0x18100] =	vst v63  }
0x164: {  	v3 =	vld [tilespmem:s13+$0x30];
	_ =	sdelay $0x4  }
0x165: {  	v63 =	vshrl.u32 v3, $0x3  }
0x166: {  	v4 =	vmul.u32 $0x18, v63  }
0x167: {  	v3 =	vand.u32 $0x7, v3  }
0x168: {  	v3 =	vor.u32 v3, v4  }
0x169: {  	v4 =	vperm.xlane v3, v0;
	_ =	sdelay $0x1  }
0x16a: {  	v4 =	vadd.s32 v1, v4;
	_ =	sdelay $0x1  }
0x16b: {  	v3 =	vperm.xlane v3, v2;
	_ =	sdelay $0x1  }
0x16c: {  	v3 =	vadd.s32 v1, v3  }
0x16d: {  	[tilespmem:s24], [sflag:$0x1] =	stream.indirect_vreg.gather [hbm4b:s5+s3], $0x80, v4, vm0, $0xb8;
	[tilespmem:$0x18100] =	vst v63  }
0x16e: {  	_ = 	snop  }
0x16f: {  	[tilespmem:s25], [sflag:$0x1] =	stream.indirect_vreg.gather [hbm4b:s9+s3], $0x80, v4, vm1, $0xb8;
	[tilespmem:$0x18100] =	vst v63  }
0x170: {  	_ = 	snop  }
0x171: {  	[tilespmem:s26], [sflag:$0x1] =	stream.indirect_vreg.gather [hbm4b:s5+s3], $0x80, v3, vm0, $0xb8;
	[tilespmem:$0x18100] =	vst v63  }
.Ltmp3:
0x172: {  	_ = 	snop;
	(pc) =	sbr.rel @p0 .LBB2_8-.Ltmp3, $4  }
0x173: {  	[tilespmem:s28], [sflag:$0x1] =	stream.indirect_vreg.gather [hbm4b:s9+s3], $0x80, v3, vm1, $0xb8;
	[tilespmem:$0x18100] =	vst v63  }
0x174: {  	_ =	swait.ge [sflag:s1], $0x6000  }
0x175: {  	[sflag:s1] =	ssyncset.done $0x0  }
0x176: {  	[sflag:s1] =	ssyncadd.s32 $0xFFFFA000  }
.LBB2_7:
0x177: {  	_ =	swait.ge [sflag:s0], $0x6000  }
0x178: {  	[sflag:s0] =	ssyncset.done $0x0  }
0x179: {  	[sflag:s0] =	ssyncadd.s32 $0xFFFFA000  }
.LBB2_8:
0x17a: {  	s12 =	simm.s32 $0x0  }
0x17b: {  	s13 =	smul.u32 $0x3000, s12  }
0x17c: {  	s14 =	simm.s32 $0x0;
	s15 =	simm.s32 $0xFFFFFFE2;
	s12 =	simm.s32 $0x200  }
0x17d: {  	s14 =	smin.u32 s14, s15;
	s18 =	sand.u32 $0x380, s12;
	s13 =	sshra.s32 s13, $0x2  }
0x17e: {  	s19 =	sshrl.u32 s14, $0x3;
	s15 =	sor.u32 s18, s13  }
0x17f: {  	s13 =	smul.u32 $0x3000, s19;
	v3 =	vld [tilespmem:s15+$0x6100]  }
0x180: {  	p0 =	por $0x0, $0x0;
	s16 =	simm.s32 $0x3000  }
0x181: {  	s16 =	simm.s32 @!p0 $0x0;
	s14 =	sshll.u32 s14, $0x7;
	s13 =	sshra.s32 s13, $0x2  }
0x182: {  	s14 =	sand.u32 $0x380, s14;
	s13 =	sadd.s32 s16, s13  }
0x183: {  	s13 =	sor.u32 s14, s13  }
0x184: {  	[tilespmem:s13+$0x12100] =	vst v3  }
0x185: {  	v3 =	vld [tilespmem:s15+$0x6110];
	_ =	sdelay $0x3  }
0x186: {  	s13 =	sadd.s32 $0x12100, s13  }
0x187: {  	[tilespmem:s13+$0x10] =	vst v3  }
0x188: {  	v3 =	vld [tilespmem:s15+$0x6120];
	_ =	sdelay $0x4  }
0x189: {  	[tilespmem:s13+$0x20] =	vst v3  }
0x18a: {  	v3 =	vld [tilespmem:s15+$0x6130];
	_ =	sdelay $0x4  }
0x18b: {  	[tilespmem:s13+$0x30] =	vst v3  }
0x18c: {  	v3 =	vld [tilespmem:s15+$0x6140];
	_ =	sdelay $0x4  }
0x18d: {  	[tilespmem:s13+$0x40] =	vst v3  }
0x18e: {  	v3 =	vld [tilespmem:s15+$0x6150];
	_ =	sdelay $0x4  }
0x18f: {  	[tilespmem:s13+$0x50] =	vst v3  }
0x190: {  	v3 =	vld [tilespmem:s15+$0x6160];
	_ =	sdelay $0x4  }
0x191: {  	[tilespmem:s13+$0x60] =	vst v3  }
0x192: {  	v3 =	vld [tilespmem:s15+$0x6170];
	_ =	sdelay $0x4  }
0x193: {  	[tilespmem:s13+$0x70] =	vst v3  }
0x194: {  	v3 =	vld [tilespmem:s15+$0x6500];
	_ =	sdelay $0x4  }
0x195: {  	[tilespmem:s13+$0x400] =	vst v3  }
0x196: {  	v3 =	vld [tilespmem:s15+$0x6510];
	_ =	sdelay $0x4  }
0x197: {  	[tilespmem:s13+$0x410] =	vst v3  }
0x198: {  	v3 =	vld [tilespmem:s15+$0x6520];
	_ =	sdelay $0x4  }
0x199: {  	[tilespmem:s13+$0x420] =	vst v3  }
0x19a: {  	v3 =	vld [tilespmem:s15+$0x6530];
	_ =	sdelay $0x4  }
0x19b: {  	[tilespmem:s13+$0x430] =	vst v3  }
0x19c: {  	v3 =	vld [tilespmem:s15+$0x6540];
	_ =	sdelay $0x4  }
0x19d: {  	[tilespmem:s13+$0x440] =	vst v3  }
0x19e: {  	v3 =	vld [tilespmem:s15+$0x6550];
	_ =	sdelay $0x4  }
0x19f: {  	[tilespmem:s13+$0x450] =	vst v3  }
0x1a0: {  	v3 =	vld [tilespmem:s15+$0x6560];
	_ =	sdelay $0x4  }
0x1a1: {  	[tilespmem:s13+$0x460] =	vst v3  }
0x1a2: {  	v3 =	vld [tilespmem:s15+$0x6570];
	_ =	sdelay $0x4  }
0x1a3: {  	[tilespmem:s13+$0x470] =	vst v3  }
0x1a4: {  	v3 =	vld [tilespmem:s15+$0x6900];
	_ =	sdelay $0x4  }
0x1a5: {  	[tilespmem:s13+$0x800] =	vst v3  }
0x1a6: {  	v3 =	vld [tilespmem:s15+$0x6910]  }
0x1a7: {  	p0 =	por $0x1, $0x1  }
.Ltmp4:
0x1a8: {  	_ = 	snop;
	(pc) =	sbr.rel @!p0 .LBB2_10-.Ltmp4, $3  }
0x1a9: {  	_ =	sdelay $0x1  }
0x1aa: {  	[tilespmem:s13+$0x810] =	vst v3  }
0x1ab: {  	s14 =	simm.s32 $0x5;
	v3 =	vld.msk [tilespmem:s15+$0x6920], $0xfff  }
.LBB2_9:
0x1ac: {  	s15 =	sshrl.u32 s14, $0x3  }
0x1ad: {  	s15 =	smul.u32 $0x3000, s15  }
0x1ae: {  	s16 =	sadd.s32 $0xFFFFFFFC, s14;
	s17 =	sadd.s32 $0xFFFFFFDE, s14;
	s12 =	sadd.s32 $0x80, s12  }
0x1af: {  	s18 =	smin.u32 s16, s17;
	s19 =	sand.u32 $0x380, s12;
	s15 =	sshra.s32 s15, $0x2  }
0x1b0: {  	p0 =	sne.s32 s17, $0x1D;
	s15 =	sor.u32 s19, s15;
	s19 =	sshrl.u32 s18, $0x3;
	[tilespmem:s13+$0x820] =	vst.msk $0xfff, v3  }
0x1b1: {  	v3 =	vld [tilespmem:s15+$0x6100];
	s13 =	smul.u32 $0x3000, s19  }
0x1b2: {  	p1 =	sgt.u32 s16, $0x1D;
	s16 =	simm.s32 $0x3000  }
0x1b3: {  	s16 =	simm.s32 @!p1 $0x0;
	s17 =	sshll.u32 s18, $0x7;
	s13 =	sshra.s32 s13, $0x2  }
0x1b4: {  	s17 =	sand.u32 $0x380, s17;
	s13 =	sadd.s32 s16, s13  }
0x1b5: {  	s13 =	sor.u32 s17, s13  }
0x1b6: {  	[tilespmem:s13+$0x12100] =	vst v3  }
0x1b7: {  	v3 =	vld [tilespmem:s15+$0x6110];
	_ =	sdelay $0x3  }
0x1b8: {  	s13 =	sadd.s32 $0x12100, s13  }
0x1b9: {  	[tilespmem:s13+$0x10] =	vst v3  }
0x1ba: {  	v3 =	vld [tilespmem:s15+$0x6120];
	_ =	sdelay $0x4  }
0x1bb: {  	[tilespmem:s13+$0x20] =	vst v3  }
0x1bc: {  	v3 =	vld [tilespmem:s15+$0x6130];
	_ =	sdelay $0x4  }
0x1bd: {  	[tilespmem:s13+$0x30] =	vst v3  }
0x1be: {  	v3 =	vld [tilespmem:s15+$0x6140];
	_ =	sdelay $0x4  }
0x1bf: {  	[tilespmem:s13+$0x40] =	vst v3  }
0x1c0: {  	v3 =	vld [tilespmem:s15+$0x6150];
	_ =	sdelay $0x4  }
0x1c1: {  	[tilespmem:s13+$0x50] =	vst v3  }
0x1c2: {  	v3 =	vld [tilespmem:s15+$0x6160];
	_ =	sdelay $0x4  }
0x1c3: {  	[tilespmem:s13+$0x60] =	vst v3  }
0x1c4: {  	v3 =	vld [tilespmem:s15+$0x6170];
	_ =	sdelay $0x4  }
0x1c5: {  	[tilespmem:s13+$0x70] =	vst v3  }
0x1c6: {  	v3 =	vld [tilespmem:s15+$0x6500];
	_ =	sdelay $0x4  }
0x1c7: {  	[tilespmem:s13+$0x400] =	vst v3  }
0x1c8: {  	v3 =	vld [tilespmem:s15+$0x6510];
	_ =	sdelay $0x4  }
0x1c9: {  	[tilespmem:s13+$0x410] =	vst v3  }
0x1ca: {  	v3 =	vld [tilespmem:s15+$0x6520];
	_ =	sdelay $0x4  }
0x1cb: {  	[tilespmem:s13+$0x420] =	vst v3  }
0x1cc: {  	v3 =	vld [tilespmem:s15+$0x6530];
	_ =	sdelay $0x4  }
0x1cd: {  	[tilespmem:s13+$0x430] =	vst v3  }
0x1ce: {  	v3 =	vld [tilespmem:s15+$0x6540];
	_ =	sdelay $0x4  }
0x1cf: {  	[tilespmem:s13+$0x440] =	vst v3  }
0x1d0: {  	v3 =	vld [tilespmem:s15+$0x6550];
	_ =	sdelay $0x4  }
0x1d1: {  	[tilespmem:s13+$0x450] =	vst v3  }
0x1d2: {  	v3 =	vld [tilespmem:s15+$0x6560];
	_ =	sdelay $0x4  }
0x1d3: {  	[tilespmem:s13+$0x460] =	vst v3  }
0x1d4: {  	v3 =	vld [tilespmem:s15+$0x6570];
	_ =	sdelay $0x4  }
0x1d5: {  	[tilespmem:s13+$0x470] =	vst v3  }
0x1d6: {  	v3 =	vld [tilespmem:s15+$0x6900];
	_ =	sdelay $0x4  }
0x1d7: {  	[tilespmem:s13+$0x800] =	vst v3  }
0x1d8: {  	v3 =	vld [tilespmem:s15+$0x6910];
	_ =	sdelay $0x1  }
.Ltmp5:
0x1d9: {  	(pc) =	sbr.rel @p0 .LBB2_9-.Ltmp5, $3  }
0x1da: {  	_ =	sdelay $0x1  }
0x1db: {  	[tilespmem:s13+$0x810] =	vst v3  }
0x1dc: {  	s14 =	sadd.s32 $0x1, s14;
	v3 =	vld.msk [tilespmem:s15+$0x6920], $0xfff  }
.LBB2_10:
0x1dd: {  	s2 =	smul.u32 $0x3000, s2;
	_ =	sdelay $0x1  }
0x1de: {  	s2 =	sshrl.u32 s2, $0x3  }
0x1df: {  	s2 =	sadd.s32 s6, s2  }
0x1e0: {  	p0 =	seq.s32 s10, $0x1F;
	[tilespmem:s13+$0x820] =	vst.msk $0xfff, v3;
	s2 =	sadd.s32 $0xC00, s2  }
0x1e1: {  	[hbm4b:s2+s3] =	stream.linear.scatter [tilespmem:s29], [sflag:$0x4], $0x6000, $0x38;
	[tilespmem:$0x18100] =	vst v63  }
0x1e2: {  	s2 =	sand.u32 @!p0 $0x1, s8  }
0x1e3: {  	p1 =	seq.s32 @!p0 s2, $0x1  }
0x1e4: {  	s2 =	simm.s32 @!p0 $0xB0;
	p1 =	por !p1, p0  }
0x1e5: {  	s2 =	simm.s32 @p1 $0x38  }
0x1e6: {  	v3 =	vld @!p0 [tilespmem:s2+$0x0];
	_ =	sdelay $0x4  }
0x1e7: {  	v4 =	vshrl.u32 @!p0 v3, $0x3  }
0x1e8: {  	v4 =	vmul.u32 @!p0 $0x18, v4  }
0x1e9: {  	v5 =	vlaneseq.u32 @!p0;
	v3 =	vand.u32 @!p0 $0x7, v3  }
0x1ea: {  	v6 =	vshrl.u32 @!p0 v5, $0x3;
	v3 =	vor.u32 @!p0 v3, v4;
	v4 =	vand.u32 @!p0 $0x7, v5  }
0x1eb: {  	v6 =	vmul.u32 @!p0 $0x8, v6;
	v7 =	vperm.xlane @!p0 v3, v4;
	_ =	sdelay $0x1  }
0x1ec: {  	v7 =	vadd.s32 @!p0 v6, v7  }
0x1ed: {  	v5 =	vor.u32 @!p0 $0x8, v5  }
0x1ee: {  	v3 =	vperm.xlane @!p0 v3, v5;
	_ =	sdelay $0x1  }
0x1ef: {  	vm2 =	vmmov @!p0 $0xffff;
	s10 =	simm.s32 @!p0 $0x0;
	s12 =	simm.s32 @!p0 $0x6100;
	v3 =	vadd.s32 @!p0 v6, v3  }
0x1f0: {  	[tilespmem:s12], [sflag:$0x2] =	stream.indirect_vreg.gather @!p0 [hbm4b:s5+s10], $0x80, v7, vm2, $0xb8;
	[tilespmem:$0x18100] =	vst v63  }
0x1f1: {  	vm3 =	vmmov @!p0 $0xff;
	s12 =	simm.s32 @!p0 $0x6900  }
0x1f2: {  	[tilespmem:s12], [sflag:$0x2] =	stream.indirect_vreg.gather @!p0 [hbm4b:s9+s10], $0x80, v7, vm3, $0xb8;
	[tilespmem:$0x18100] =	vst v63  }
0x1f3: {  	s12 =	simm.s32 @!p0 $0x6D00  }
0x1f4: {  	[tilespmem:s12], [sflag:$0x2] =	stream.indirect_vreg.gather @!p0 [hbm4b:s5+s10], $0x80, v3, vm2, $0xb8;
	[tilespmem:$0x18100] =	vst v63  }
0x1f5: {  	s12 =	simm.s32 @!p0 $0x7500  }
0x1f6: {  	[tilespmem:s12], [sflag:$0x2] =	stream.indirect_vreg.gather @!p0 [hbm4b:s9+s10], $0x80, v3, vm3, $0xb8;
	[tilespmem:$0x18100] =	vst v63  }
0x1f7: {  	v3 =	vld @!p0 [tilespmem:s2+$0x10];
	_ =	sdelay $0x4  }
0x1f8: {  	v7 =	vshrl.u32 @!p0 v3, $0x3  }
0x1f9: {  	v7 =	vmul.u32 @!p0 $0x18, v7  }
0x1fa: {  	v3 =	vand.u32 @!p0 $0x7, v3  }
0x1fb: {  	v3 =	vor.u32 @!p0 v3, v7  }
0x1fc: {  	v7 =	vperm.xlane @!p0 v3, v4;
	_ =	sdelay $0x1  }
0x1fd: {  	v7 =	vadd.s32 @!p0 v6, v7;
	_ =	sdelay $0x1  }
0x1fe: {  	v3 =	vperm.xlane @!p0 v3, v5;
	_ =	sdelay $0x1  }
0x1ff: {  	s12 =	simm.s32 @!p0 $0x7900;
	v3 =	vadd.s32 @!p0 v6, v3  }
0x200: {  	[tilespmem:s12], [sflag:$0x2] =	stream.indirect_vreg.gather @!p0 [hbm4b:s5+s10], $0x80, v7, vm2, $0xb8;
	[tilespmem:$0x18100] =	vst v63  }
0x201: {  	s12 =	simm.s32 @!p0 $0x8100  }
0x202: {  	[tilespmem:s12], [sflag:$0x2] =	stream.indirect_vreg.gather @!p0 [hbm4b:s9+s10], $0x80, v7, vm3, $0xb8;
	[tilespmem:$0x18100] =	vst v63  }
0x203: {  	s12 =	simm.s32 @!p0 $0x8500  }
0x204: {  	[tilespmem:s12], [sflag:$0x2] =	stream.indirect_vreg.gather @!p0 [hbm4b:s5+s10], $0x80, v3, vm2, $0xb8;
	[tilespmem:$0x18100] =	vst v63  }
0x205: {  	s12 =	simm.s32 @!p0 $0x8D00  }
0x206: {  	[tilespmem:s12], [sflag:$0x2] =	stream.indirect_vreg.gather @!p0 [hbm4b:s9+s10], $0x80, v3, vm3, $0xb8;
	[tilespmem:$0x18100] =	vst v63  }
0x207: {  	v3 =	vld @!p0 [tilespmem:s2+$0x20];
	_ =	sdelay $0x4  }
0x208: {  	v7 =	vshrl.u32 @!p0 v3, $0x3  }
0x209: {  	v7 =	vmul.u32 @!p0 $0x18, v7  }
0x20a: {  	v3 =	vand.u32 @!p0 $0x7, v3  }
0x20b: {  	v3 =	vor.u32 @!p0 v3, v7  }
0x20c: {  	v7 =	vperm.xlane @!p0 v3, v4;
	_ =	sdelay $0x1  }
0x20d: {  	v7 =	vadd.s32 @!p0 v6, v7;
	_ =	sdelay $0x1  }
0x20e: {  	v3 =	vperm.xlane @!p0 v3, v5;
	_ =	sdelay $0x1  }
0x20f: {  	s12 =	simm.s32 @!p0 $0x9100;
	v3 =	vadd.s32 @!p0 v6, v3  }
0x210: {  	[tilespmem:s12], [sflag:$0x2] =	stream.indirect_vreg.gather @!p0 [hbm4b:s5+s10], $0x80, v7, vm2, $0xb8;
	[tilespmem:$0x18100] =	vst v63  }
0x211: {  	s12 =	simm.s32 @!p0 $0x9900  }
0x212: {  	[tilespmem:s12], [sflag:$0x2] =	stream.indirect_vreg.gather @!p0 [hbm4b:s9+s10], $0x80, v7, vm3, $0xb8;
	[tilespmem:$0x18100] =	vst v63  }
0x213: {  	s12 =	simm.s32 @!p0 $0x9D00  }
0x214: {  	[tilespmem:s12], [sflag:$0x2] =	stream.indirect_vreg.gather @!p0 [hbm4b:s5+s10], $0x80, v3, vm2, $0xb8;
	[tilespmem:$0x18100] =	vst v63  }
0x215: {  	s12 =	simm.s32 @!p0 $0xA500  }
0x216: {  	[tilespmem:s12], [sflag:$0x2] =	stream.indirect_vreg.gather @!p0 [hbm4b:s9+s10], $0x80, v3, vm3, $0xb8;
	[tilespmem:$0x18100] =	vst v63  }
0x217: {  	v3 =	vld @!p0 [tilespmem:s2+$0x30];
	_ =	sdelay $0x4  }
0x218: {  	v7 =	vshrl.u32 @!p0 v3, $0x3  }
0x219: {  	v7 =	vmul.u32 @!p0 $0x18, v7  }
0x21a: {  	v3 =	vand.u32 @!p0 $0x7, v3  }
0x21b: {  	v3 =	vor.u32 @!p0 v3, v7  }
0x21c: {  	v4 =	vperm.xlane @!p0 v3, v4;
	_ =	sdelay $0x1  }
0x21d: {  	v4 =	vadd.s32 @!p0 v6, v4;
	_ =	sdelay $0x1  }
0x21e: {  	v3 =	vperm.xlane @!p0 v3, v5;
	_ =	sdelay $0x1  }
0x21f: {  	s2 =	simm.s32 @!p0 $0xA900;
	v3 =	vadd.s32 @!p0 v6, v3  }
0x220: {  	[tilespmem:s2], [sflag:$0x2] =	stream.indirect_vreg.gather @!p0 [hbm4b:s5+s10], $0x80, v4, vm2, $0xb8;
	[tilespmem:$0x18100] =	vst v63  }
0x221: {  	s2 =	simm.s32 @!p0 $0xB100  }
0x222: {  	[tilespmem:s2], [sflag:$0x2] =	stream.indirect_vreg.gather @!p0 [hbm4b:s9+s10], $0x80, v4, vm3, $0xb8;
	[tilespmem:$0x18100] =	vst v63  }
0x223: {  	s2 =	simm.s32 @!p0 $0xB500  }
0x224: {  	[tilespmem:s2], [sflag:$0x2] =	stream.indirect_vreg.gather @!p0 [hbm4b:s5+s10], $0x80, v3, vm2, $0xb8;
	[tilespmem:$0x18100] =	vst v63  }
0x225: {  	p1 =	sne.s32 @!p0 s8, $0x20;
	s2 =	simm.s32 @!p0 $0xBD00  }
0x226: {  	[tilespmem:s2], [sflag:$0x2] =	stream.indirect_vreg.gather @!p0 [hbm4b:s9+s10], $0x80, v3, vm3, $0xb8;
	[tilespmem:$0x18100] =	vst v63  }
0x227: {  	p0 =	por p0, !p1  }
.Ltmp6:
0x228: {  	_ = 	snop;
	(pc) =	sbr.rel @!p0 .LBB2_2-.Ltmp6, $1  }
0x229: {  	_ =	sdelay $0x3  }
0x22a: {  	s2 =	simm.s32 $0x3  }
0x22b: {  	_ =	swait.ge [sflag:s2], $0x6000  }
0x22c: {  	[sflag:s2] =	ssyncset.done $0x0  }
0x22d: {  	[sflag:s2] =	ssyncadd.s32 $0xFFFFA000  }
0x22e: {  	_ =	swait.ge [sflag:s0], $0x6000  }
0x22f: {  	s8 =	rddreg [dreg:$0x5]  }
0x230: {  	s19 =	rddreg [dreg:$0x4];
	s8 =	sadd.s32 $0x1, s8  }
0x231: {  	p0 =	sne.s32 s8, s19  }
.Ltmp7:
0x232: {  	_ = 	snop;
	(pc) =	sbr.rel @p0 .LBB2_1-.Ltmp7, $3  }
0x233: {  	_ =	sdelay $0x1  }
0x234: {  	[sflag:s0] =	ssyncset.done $0x0  }
0x235: {  	[sflag:s0] =	ssyncadd.s32 $0xFFFFA000  }
0x236: {  	_ =	sfence.sel $0x180000  }
0x237: {  	[bflag:$0x0] =	sbarrier.arrive $0xFFFF  }
0x238: {  	_ =	strace $0x90000047  }
0x239: {  	s0 =	stileid.u32;
	[bflag:$0x2] =	sbarrier.arrive $0xFFFF  }
0x23a: {  	p0 =	sne.s32 s0, $0x0;
	s0 =	rddreg [dreg:$0x2]  }
0x23b: {  	s0 =	sadd.s32 @!p0 $0x100000, s0  }
0x23c: {  	[sflag:s0] =	ssyncadd.tile.s32 @!p0 $0x1;
	_ =	shalt  }
.Lfunc_end2:
_tile_overlayer_lowered:
.L_overlay_start_2:
0x23d: {  	(tag) =	ssettag $0x2  }
0x23e: {  	s0 =	rddreg [dreg:$0x0];
	s2 =	stileid.u32  }
0x23f: {  	s1 =	rddreg [dreg:$0x1];
	p0 =	sne.s32 s2, $0x0  }
0x240: {  	s3 =	rddreg [dreg:$0x2];
	[bflag:$0x3] =	sbarrier.arrive $0xFFFF;
	s2 =	simm.s32 @!p0 $0x1C05  }
0x241: {  	[timem:s3], [sflag:s2] =	dma.local @!p0 [hbm:s0], s1  }
0x242: {  	s0 =	simm.s32 @!p0 $0x5  }
0x243: {  	_ =	swait.ge @!p0 [sflag:s0], s1  }
0x244: {  	s1 =	ssub.s32 @!p0 $0x0, s1;
	[sflag:s0] =	ssyncset.done @!p0 $0x0  }
0x245: {  	[sflag:s0] =	ssyncadd.s32 @!p0 s1  }
0x246: {  	[bflag:$0x3] =	sbarrier.arrive $0xFFFF  }
0x247: {  	_ =	shalt  }

</sc_bundles>
